<compile_context>
chip_gen: v7x
topology: tpu7x:2x2x1
jax: 0.10.2.dev20260603
libtpu: 0.0.44.dev20260713+nightly
codegen_flags: <defaults>
</compile_context>

<pallas_src>
import functools

import jax
import jax.numpy as jnp
from jax import lax
from jax.experimental import pallas as pl
from jax.experimental.pallas import tpu as pltpu
from jax.experimental.pallas import tpu_sc as plsc

T = 128
LANES = 16


def _gating_kernel(x_ref, gW1_ref, gb1_ref, gln_g_ref, gln_b_ref, gW2_ref,
                   gb2_ref, probs_ref, eid_ref, wgt_ref, xbf_ref, *, E):
    x = x_ref[...]
    xbf_ref[...] = x.astype(jnp.bfloat16)
    B = x.shape[0]
    h = jnp.dot(x, gW1_ref[...], preferred_element_type=jnp.float32)
    h = h + gb1_ref[0]
    mu = jnp.mean(h, axis=-1, keepdims=True)
    var = jnp.mean((h - mu) ** 2, axis=-1, keepdims=True)
    h = (h - mu) * jax.lax.rsqrt(var + 1e-5) * gln_g_ref[0] + gln_b_ref[0]
    h = jax.nn.gelu(h)
    glog = jnp.dot(h, gW2_ref[...], preferred_element_type=jnp.float32)
    glog = glog + gb2_ref[0]
    probs = jax.nn.softmax(glog, axis=-1)
    probs_ref[...] = probs

    e_iota = jax.lax.broadcasted_iota(jnp.int32, (B, E), 1)
    v1 = jnp.max(probs, axis=-1, keepdims=True)
    i1 = jnp.min(jnp.where(probs == v1, e_iota, E), axis=-1, keepdims=True)
    mask1 = e_iota == i1
    probs_rest = jnp.where(mask1, -1.0, probs)
    v2 = jnp.max(probs_rest, axis=-1, keepdims=True)
    i2 = jnp.min(jnp.where(probs_rest == v2, e_iota, E), axis=-1,
                 keepdims=True)
    mask2 = e_iota == i2
    eid_ref[...] = jnp.concatenate([i1, i2], axis=1)
    wgt_ref[...] = jnp.concatenate([v1, v2], axis=1)


def _routing_kernel(eidk_ref, wgtk_ref, pos_ref, tsrc_ref, wpad_ref,
                    tile_ref, *, A, B, E, NPAD):
    eidk = eidk_ref[...]
    e_row = jax.lax.broadcasted_iota(jnp.int32, (A, E), 1)
    oh = (eidk == e_row).astype(jnp.float32)

    CH = 512
    r_lt = (jax.lax.broadcasted_iota(jnp.int32, (CH, CH), 0)
            > jax.lax.broadcasted_iota(jnp.int32, (CH, CH), 1)
            ).astype(jnp.float32)
    carry = jnp.zeros((1, E), jnp.float32)
    rank_parts = []
    for c in range(A // CH):
        oh_c = oh[c * CH:(c + 1) * CH]
        rk_c = jnp.dot(r_lt, oh_c, preferred_element_type=jnp.float32) + carry
        rank_parts.append(jnp.sum(rk_c * oh_c, axis=1, keepdims=True))
        carry = carry + jnp.sum(oh_c, axis=0, keepdims=True)
    rank = jnp.concatenate(rank_parts, axis=0)

    totals = carry.astype(jnp.int32)
    pad = ((totals + (T - 1)) >> 7) << 7
    u_lt = (jax.lax.broadcasted_iota(jnp.int32, (E, E), 0)
            < jax.lax.broadcasted_iota(jnp.int32, (E, E), 1)
            ).astype(jnp.float32)
    gstart = jnp.dot(pad.astype(jnp.float32), u_lt,
                     preferred_element_type=jnp.float32)
    gsel = jnp.sum(oh * gstart, axis=1, keepdims=True)
    pos = (gsel + rank).astype(jnp.int32)
    pos_ref[...] = pos

    a_iota = jax.lax.broadcasted_iota(jnp.int32, (1, A), 1)
    tok_row = jnp.where(a_iota >= B, a_iota - B, a_iota).astype(jnp.float32)
    wgt_row = wgtk_ref[...]
    for c in range(NPAD // CH):
        cols = jax.lax.broadcasted_iota(jnp.int32, (1, CH), 1) + c * CH
        po = (pos == cols).astype(jnp.float32)
        tsrc_ref[:, c * CH:(c + 1) * CH] = jnp.dot(
            tok_row, po, preferred_element_type=jnp.float32).astype(jnp.int32)
        wpad_ref[:, c * CH:(c + 1) * CH] = jnp.dot(
            wgt_row, po, preferred_element_type=jnp.float32)

    n_tile_pad = tile_ref.shape[1]
    tcol = jax.lax.broadcasted_iota(jnp.int32, (1, n_tile_pad), 1) * T
    te = jnp.zeros((1, n_tile_pad), jnp.int32)
    for e in range(E):
        gs = gstart[0, e].astype(jnp.int32)
        inr = (tcol >= gs) & (tcol < gs + pad[0, e])
        te = jnp.where(inr, e, te)
    tile_ref[...] = te


def _make_gather_kernel(NPAD, H2, n_sub, rows_sub):
    mesh = plsc.VectorSubcoreMesh(core_axis_name="c", subcore_axis_name="s")

    @functools.partial(
        pl.kernel, mesh=mesh,
        out_type=jax.ShapeDtypeStruct((NPAD, H2), jnp.int32),
        scratch_types=[
            pltpu.VMEM((n_sub, rows_sub), jnp.int32),
        ] + [pltpu.VMEM((rows_sub, H2), jnp.int32) for _ in range(4)] + [
            pltpu.SemaphoreType.DMA,
            pltpu.SemaphoreType.DMA,
        ],
    )
    def gather(tsrc_hbm, x_hbm, xg_hbm, idxv, b0, b1, b2, b3, semg, sems):
        wid = lax.axis_index("s") * 2 + lax.axis_index("c")
        idx_row0 = pl.multiple_of(wid * n_sub, n_sub)
        base = pl.multiple_of(wid * n_sub * rows_sub, n_sub * rows_sub)
        pltpu.sync_copy(tsrc_hbm.at[pl.ds(idx_row0, n_sub)], idxv)
        bufs = [b0, b1, b2, b3]
        gets = [pltpu.async_copy(x_hbm.at[idxv.at[h]], bufs[h], semg)
                for h in range(n_sub)]
        puts = []
        for h in range(n_sub):
            gets[h].wait()
            puts.append(pltpu.async_copy(
                bufs[h], xg_hbm.at[pl.ds(base + h * rows_sub, rows_sub)],
                sems))
        for p in puts:
            p.wait()

    return gather


def _make_combine_kernel(B, H2, NPAD):
    mesh = plsc.VectorSubcoreMesh(core_axis_name="c", subcore_axis_name="s")
    t_chunk = B // 32
    n_sub = 2
    rows_sub = t_chunk // n_sub

    @functools.partial(
        pl.kernel, mesh=mesh,
        out_type=[
            jax.ShapeDtypeStruct((B, H2), jnp.int32),
            jax.ShapeDtypeStruct((B, H2), jnp.int32),
        ],
        scratch_types=[
            pltpu.VMEM((n_sub, rows_sub), jnp.int32),
            pltpu.VMEM((n_sub, rows_sub), jnp.int32),
        ] + [pltpu.VMEM((rows_sub, H2), jnp.int32) for _ in range(4)] + [
            pltpu.SemaphoreType.DMA,
            pltpu.SemaphoreType.DMA,
        ],
    )
    def combine(y_hbm, pos_hbm, ya_hbm, yb_hbm, idxa, idxb, b0, b1, b2, b3,
                semg, sems):
        wid = lax.axis_index("s") * 2 + lax.axis_index("c")
        arow = pl.multiple_of(wid * n_sub, n_sub)
        brow = pl.multiple_of((B // rows_sub) + wid * n_sub, n_sub)
        pltpu.sync_copy(pos_hbm.at[pl.ds(arow, n_sub)], idxa)
        pltpu.sync_copy(pos_hbm.at[pl.ds(brow, n_sub)], idxb)
        tbase = pl.multiple_of(wid * t_chunk, t_chunk)
        bufs = [b0, b1, b2, b3]
        seq = [(idxa, 0, ya_hbm, 0), (idxa, 1, ya_hbm, 1),
               (idxb, 0, yb_hbm, 0), (idxb, 1, yb_hbm, 1)]
        gets = [pltpu.async_copy(y_hbm.at[ir.at[h]], bufs[t], semg)
                for t, (ir, h, _, _) in enumerate(seq)]
        puts = []
        for t, (ir, h, dst, off) in enumerate(seq):
            gets[t].wait()
            puts.append(pltpu.async_copy(
                bufs[t], dst.at[pl.ds(tbase + off * rows_sub, rows_sub)],
                sems))
        for p in puts:
            p.wait()

    return combine


def _matmul_kernel(te_ref, xg_ref, eW_ref, eb_ref, wgt_ref, y_ref):
    xg = xg_ref[...].astype(jnp.float32)
    y = jnp.dot(xg, eW_ref[0], preferred_element_type=jnp.float32)
    y_ref[...] = (wgt_ref[0] * (y + eb_ref[0])).astype(jnp.bfloat16)


def _classifier_kernel(ya_ref, yb_ref, cW1_ref, cb1_ref, cln_g_ref,
                       cln_b_ref, cW2_ref, cb2_ref, logits_ref):
    ci = (ya_ref[...].astype(jnp.float32)
          + yb_ref[...].astype(jnp.float32))
    ch = jnp.dot(ci, cW1_ref[...], preferred_element_type=jnp.float32)
    ch = ch + cb1_ref[0]
    mu = jnp.mean(ch, axis=-1, keepdims=True)
    var = jnp.mean((ch - mu) ** 2, axis=-1, keepdims=True)
    ch = (ch - mu) * jax.lax.rsqrt(var + 1e-5) * cln_g_ref[0] + cln_b_ref[0]
    ch = jnp.maximum(ch, 0.0)
    logits = jnp.dot(ch, cW2_ref[...], preferred_element_type=jnp.float32)
    logits_ref[...] = logits + cb2_ref[0]


def kernel(x, gW1, gb1, gln_g, gln_b, gW2, gb2, eW, eb, cW1, cb1, cln_g,
           cln_b, cW2, cb2):
    B, H = x.shape
    E = eW.shape[0]
    C = cW2.shape[1]
    A = 2 * B
    NPAD = A + E * T
    NT = NPAD // T
    NTPAD = ((NT + LANES - 1) // LANES) * LANES

    def row(v):
        return v.reshape(1, -1)

    full = lambda a: pl.BlockSpec(a.shape, lambda i: (0,) * a.ndim)

    probs, eid, wgt, xbf = pl.pallas_call(
        functools.partial(_gating_kernel, E=E),
        grid=(1,),
        in_specs=[full(x), full(gW1), full(row(gb1)), full(row(gln_g)),
                  full(row(gln_b)), full(gW2), full(row(gb2))],
        out_specs=[pl.BlockSpec((B, E), lambda i: (0, 0)),
                   pl.BlockSpec((B, 2), lambda i: (0, 0)),
                   pl.BlockSpec((B, 2), lambda i: (0, 0)),
                   pl.BlockSpec((B, H), lambda i: (0, 0))],
        out_shape=[jax.ShapeDtypeStruct((B, E), jnp.float32),
                   jax.ShapeDtypeStruct((B, 2), jnp.int32),
                   jax.ShapeDtypeStruct((B, 2), jnp.float32),
                   jax.ShapeDtypeStruct((B, H), jnp.bfloat16)],
    )(x, gW1, row(gb1), row(gln_g), row(gln_b), gW2, row(gb2))

    pos, t_src, wgt_pad, tile_e = pl.pallas_call(
        functools.partial(_routing_kernel, A=A, B=B, E=E, NPAD=NPAD),
        grid=(1,),
        in_specs=[pl.BlockSpec((A, 1), lambda i: (0, 0)),
                  pl.BlockSpec((1, A), lambda i: (0, 0))],
        out_specs=[pl.BlockSpec((A, 1), lambda i: (0, 0)),
                   pl.BlockSpec((1, NPAD), lambda i: (0, 0)),
                   pl.BlockSpec((1, NPAD), lambda i: (0, 0)),
                   pl.BlockSpec((1, 64), lambda i: (0, 0))],
        out_shape=[jax.ShapeDtypeStruct((A, 1), jnp.int32),
                   jax.ShapeDtypeStruct((1, NPAD), jnp.int32),
                   jax.ShapeDtypeStruct((1, NPAD), jnp.float32),
                   jax.ShapeDtypeStruct((1, 64), jnp.int32)],
    )(eid.T.reshape(A, 1), wgt.T.reshape(1, A))
    t_src = t_src.reshape(NPAD)
    wgt_pad = wgt_pad.reshape(NPAD)
    pos = pos.reshape(A // 64, 64)
    tile_e = tile_e.reshape(64)

    n_sub, rows_sub = 4, NPAD // 32 // 4
    gather = _make_gather_kernel(NPAD, H // 2, n_sub, rows_sub)
    x_i32 = jax.lax.bitcast_convert_type(
        xbf.reshape(B, H // 2, 2), jnp.int32)
    xg_i32 = gather(t_src.reshape(32 * n_sub, rows_sub), x_i32)
    xg = jax.lax.bitcast_convert_type(
        xg_i32.reshape(NPAD, H // 2, 1), jnp.bfloat16).reshape(NPAD, H)

    y = pl.pallas_call(
        _matmul_kernel,
        grid_spec=pltpu.PrefetchScalarGridSpec(
            num_scalar_prefetch=1,
            grid=(NT,),
            in_specs=[
                pl.BlockSpec((T, H), lambda i, te: (i, 0)),
                pl.BlockSpec((1, H, H), lambda i, te: (te[i], 0, 0)),
                pl.BlockSpec((1, 1, H), lambda i, te: (te[i], 0, 0)),
                pl.BlockSpec((1, T, 1), lambda i, te: (i, 0, 0)),
            ],
            out_specs=pl.BlockSpec((T, H), lambda i, te: (i, 0)),
        ),
        out_shape=jax.ShapeDtypeStruct((NPAD, H), jnp.bfloat16),
    )(tile_e[:NT], xg, eW, eb.reshape(E, 1, H), wgt_pad.reshape(NT, T, 1))

    combine = _make_combine_kernel(B, H // 2, NPAD)
    y_i32 = jax.lax.bitcast_convert_type(
        y.reshape(NPAD, H // 2, 2), jnp.int32)
    ya_i, yb_i = combine(y_i32, pos.reshape(A // 32, 32))
    ya = jax.lax.bitcast_convert_type(
        ya_i.reshape(B, H // 2, 1), jnp.bfloat16).reshape(B, H)
    yb = jax.lax.bitcast_convert_type(
        yb_i.reshape(B, H // 2, 1), jnp.bfloat16).reshape(B, H)

    logits = pl.pallas_call(
        _classifier_kernel,
        grid=(1,),
        in_specs=[full(ya), full(yb), full(cW1), full(row(cb1)),
                  full(row(cln_g)), full(row(cln_b)), full(cW2),
                  full(row(cb2))],
        out_specs=pl.BlockSpec((B, C), lambda i: (0, 0)),
        out_shape=jax.ShapeDtypeStruct((B, C), jnp.float32),
    )(ya, yb, cW1, row(cb1), row(cln_g), row(cln_b), cW2, row(cb2))

    return logits, probs

# --- scband reference (transcript-rebuilt; emitter-appended) ---
"""Pipeline reference for scband-mo-econtradiction-classifier-16149077033522 (READ-ONLY COPY).

The authoritative reference and input builder live on the scoring server;
editing this copy changes nothing except your own understanding.
"""

import jax, jax.numpy as jnp
import numpy as np

B, H, HG, E, K, C = 2048, 1024, 512, 8, 2, 3


def _ln(x, g, b):
    mu = jnp.mean(x, axis=-1, keepdims=True)
    var = jnp.var(x, axis=-1, keepdims=True)
    return (x - mu) / jnp.sqrt(var + 1e-5) * g + b


def setup_inputs(seed: int = 0) -> dict:
    key = jax.random.key(seed)
    ks = jax.random.split(key, 8)
    s = lambda k, sh: (jax.random.normal(k, sh, dtype=jnp.float32) * 0.02)
    return {
        'x': jax.random.normal(ks[0], (B, H), dtype=jnp.float32),
        'gW1': s(ks[1], (H, HG)), 'gb1': jnp.zeros((HG,), jnp.float32),
        'gln_g': jnp.ones((HG,), jnp.float32), 'gln_b': jnp.zeros((HG,), jnp.float32),
        'gW2': s(ks[2], (HG, E)), 'gb2': jnp.zeros((E,), jnp.float32),
        'eW': s(ks[3], (E, H, H)), 'eb': jnp.zeros((E, H), jnp.float32),
        'cW1': s(ks[4], (H, HG)), 'cb1': jnp.zeros((HG,), jnp.float32),
        'cln_g': jnp.ones((HG,), jnp.float32), 'cln_b': jnp.zeros((HG,), jnp.float32),
        'cW2': s(ks[5], (HG, C)), 'cb2': jnp.zeros((C,), jnp.float32),
    }


def reference(x, gW1, gb1, gln_g, gln_b, gW2, gb2, eW, eb, cW1, cb1, cln_g, cln_b, cW2, cb2):
    # Sparse gating network: Linear -> LayerNorm -> GELU -> Linear -> softmax
    h = jax.nn.gelu(_ln(x @ gW1 + gb1, gln_g, gln_b))
    gating_probs = jax.nn.softmax(h @ gW2 + gb2, axis=-1)
    # top-k expert selection (probs are NOT renormalized, matching torch code)
    top_v, top_i = jax.lax.top_k(gating_probs, K)  # [B,K]
    onehot = jax.nn.one_hot(top_i, E, dtype=x.dtype)  # [B,K,E]
    combine = jnp.sum(top_v[..., None] * onehot, axis=1)  # [B,E] gate weight per expert (0 if not selected)
    # Expert encoders (CLS-embedding producing transform per expert); dispatch realized as masked combine
    expert_out = jnp.einsum('bh,ehd->ebd', x, eW) + eb[:, None, :]  # [E,B,H]
    classifier_in = jnp.einsum('be,ebd->bd', combine, expert_out)  # weighted sum of selected experts' CLS embds
    # Classifier head: Linear -> LayerNorm -> ReLU -> Linear
    ch = jax.nn.relu(_ln(classifier_in @ cW1 + cb1, cln_g, cln_b))
    classifier_logits = ch @ cW2 + cb2
    return classifier_logits, gating_probs

if __name__ == "__main__":
    import jax
    _d = setup_inputs()
    print(jax.jit(kernel)(*tuple(_d.values())))

</pallas_src>

<mosaic_0001>
#map = affine_map<(d0, d1) -> (0, 0)>
module attributes {stable_mosaic.version = 14 : i64} {
  func.func @gather(%arg0: i32, %arg1: i32, %arg2: memref<128x40xi32, #tpu.memory_space<hbm>>, %arg3: memref<2048x512xi32, #tpu.memory_space<hbm>>, %arg4: memref<5120x512xi32, #tpu.memory_space<hbm>>, %arg5: memref<4x40xi32, #tpu.memory_space<vmem>>, %arg6: memref<40x512xi32, #tpu.memory_space<vmem>>, %arg7: memref<40x512xi32, #tpu.memory_space<vmem>>, %arg8: memref<40x512xi32, #tpu.memory_space<vmem>>, %arg9: memref<40x512xi32, #tpu.memory_space<vmem>>, %arg10: memref<!tpu.dma_semaphore, #tpu.memory_space<semaphore_mem>>, %arg11: memref<!tpu.dma_semaphore, #tpu.memory_space<semaphore_mem>>) attributes {dimension_semantics = [#tpu.dimension_semantics<core_parallel>, #tpu.dimension_semantics<subcore_parallel>], iteration_bounds = array<i64: 2, 16>, scalar_prefetch = 0 : i64, scratch_operands = 7 : i64, tpu.core_type = #tpu.core_type<sc_vector_subcore>, window_params = [{transform_indices = #map}, {transform_indices = #map}, {transform_indices = #map}]} {
    %mul3A = arith.constant 2 : i32
    %mul3A_0 = arith.muli %arg1, %mul3A : i32
    %add3A = arith.addi %mul3A_0, %arg0 : i32
    %mul3A_1 = arith.constant 4 : i32
    %mul3A_2 = arith.muli %add3A, %mul3A_1 : i32
    %multiple_of3A = tpu.assume_multiple %mul3A_2, 4 : i32
    %mul3A_3 = arith.constant 4 : i32
    %mul3A_4 = arith.muli %add3A, %mul3A_3 : i32
    %mul3A_5 = arith.constant 40 : i32
    %mul3A_6 = arith.muli %mul3A_4, %mul3A_5 : i32
    %multiple_of3A_7 = tpu.assume_multiple %mul3A_6, 160 : i32
    "tpu.region"() ({
      %run_scoped3A = tpu.sem_alloc : memref<!tpu.dma_semaphore, #tpu.memory_space<semaphore_mem>>
      %dma_start3A_102 = arith.constant 0 : i32
      %dma_start3A_103 = tpu.memref_slice %arg2[%multiple_of3A, %dma_start3A_102] : memref<128x40xi32, #tpu.memory_space<hbm>> -> memref<4x40xi32, #tpu.memory_space<hbm>>
      %dma_start3A_104 = arith.constant 0 : i32
      %dma_start3A_105 = tpu.memref_slice %arg2[%multiple_of3A, %dma_start3A_104] : memref<128x40xi32, #tpu.memory_space<hbm>> -> memref<4x40xi32, #tpu.memory_space<hbm>>
      tpu.enqueue_dma source(%dma_start3A_105 : memref<4x40xi32, #tpu.memory_space<hbm>>) target(%arg5 : memref<4x40xi32, #tpu.memory_space<vmem>>) target_semaphore(%run_scoped3A : memref<!tpu.dma_semaphore, #tpu.memory_space<semaphore_mem>>)
      %dma_wait3A_106 = arith.constant 0 : i32
      %dma_wait3A_107 = tpu.memref_slice %arg2[%multiple_of3A, %dma_wait3A_106] : memref<128x40xi32, #tpu.memory_space<hbm>> -> memref<4x40xi32, #tpu.memory_space<hbm>>
      %dma_wait3A_108 = arith.constant 0 : i32
      %dma_wait3A_109 = tpu.memref_slice %arg2[%multiple_of3A, %dma_wait3A_108] : memref<128x40xi32, #tpu.memory_space<hbm>> -> memref<4x40xi32, #tpu.memory_space<hbm>>
      tpu.wait_dma2 semaphore(%run_scoped3A : memref<!tpu.dma_semaphore, #tpu.memory_space<semaphore_mem>>) src(%dma_wait3A_109 : memref<4x40xi32, #tpu.memory_space<hbm>>) dst(%arg5 : memref<4x40xi32, #tpu.memory_space<vmem>>)
      tpu.yield
    }) : () -> ()
    %dma_start3A = arith.constant 0 : i32
    %dma_start3A_8 = arith.constant 0 : i32
    %dma_start3A_9 = tpu.memref_slice %arg5[%dma_start3A, %dma_start3A_8] : memref<4x40xi32, #tpu.memory_space<vmem>> -> memref<1x40xi32, #tpu.memory_space<vmem>>
    %dma_start3A_10 = tpu.memref_squeeze %dma_start3A_9 : memref<1x40xi32, #tpu.memory_space<vmem>> -> memref<40xi32, #tpu.memory_space<vmem>>
    %dma_start3A_11 = arith.constant 0 : i32
    %dma_start3A_12 = arith.constant 0 : i32
    %dma_start3A_13 = tpu.memref_slice %arg3[%dma_start3A_11, %dma_start3A_12] : memref<2048x512xi32, #tpu.memory_space<hbm>> -> memref<2048x512xi32, #tpu.memory_space<hbm>>
    tpu.enqueue_indirect_dma source(%dma_start3A_13 : memref<2048x512xi32, #tpu.memory_space<hbm>>) target(%arg6 : memref<40x512xi32, #tpu.memory_space<vmem>>) offsets(%dma_start3A_10 : memref<40xi32, #tpu.memory_space<vmem>>) semaphore(%arg10 : memref<!tpu.dma_semaphore, #tpu.memory_space<semaphore_mem>>)
    %dma_start3A_14 = arith.constant 1 : i32
    %dma_start3A_15 = arith.constant 0 : i32
    %dma_start3A_16 = tpu.memref_slice %arg5[%dma_start3A_14, %dma_start3A_15] : memref<4x40xi32, #tpu.memory_space<vmem>> -> memref<1x40xi32, #tpu.memory_space<vmem>>
    %dma_start3A_17 = tpu.memref_squeeze %dma_start3A_16 : memref<1x40xi32, #tpu.memory_space<vmem>> -> memref<40xi32, #tpu.memory_space<vmem>>
    %dma_start3A_18 = arith.constant 0 : i32
    %dma_start3A_19 = arith.constant 0 : i32
    %dma_start3A_20 = tpu.memref_slice %arg3[%dma_start3A_18, %dma_start3A_19] : memref<2048x512xi32, #tpu.memory_space<hbm>> -> memref<2048x512xi32, #tpu.memory_space<hbm>>
    tpu.enqueue_indirect_dma source(%dma_start3A_20 : memref<2048x512xi32, #tpu.memory_space<hbm>>) target(%arg7 : memref<40x512xi32, #tpu.memory_space<vmem>>) offsets(%dma_start3A_17 : memref<40xi32, #tpu.memory_space<vmem>>) semaphore(%arg10 : memref<!tpu.dma_semaphore, #tpu.memory_space<semaphore_mem>>)
    %dma_start3A_21 = arith.constant 2 : i32
    %dma_start3A_22 = arith.constant 0 : i32
    %dma_start3A_23 = tpu.memref_slice %arg5[%dma_start3A_21, %dma_start3A_22] : memref<4x40xi32, #tpu.memory_space<vmem>> -> memref<1x40xi32, #tpu.memory_space<vmem>>
    %dma_start3A_24 = tpu.memref_squeeze %dma_start3A_23 : memref<1x40xi32, #tpu.memory_space<vmem>> -> memref<40xi32, #tpu.memory_space<vmem>>
    %dma_start3A_25 = arith.constant 0 : i32
    %dma_start3A_26 = arith.constant 0 : i32
    %dma_start3A_27 = tpu.memref_slice %arg3[%dma_start3A_25, %dma_start3A_26] : memref<2048x512xi32, #tpu.memory_space<hbm>> -> memref<2048x512xi32, #tpu.memory_space<hbm>>
    tpu.enqueue_indirect_dma source(%dma_start3A_27 : memref<2048x512xi32, #tpu.memory_space<hbm>>) target(%arg8 : memref<40x512xi32, #tpu.memory_space<vmem>>) offsets(%dma_start3A_24 : memref<40xi32, #tpu.memory_space<vmem>>) semaphore(%arg10 : memref<!tpu.dma_semaphore, #tpu.memory_space<semaphore_mem>>)
    %dma_start3A_28 = arith.constant 3 : i32
    %dma_start3A_29 = arith.constant 0 : i32
    %dma_start3A_30 = tpu.memref_slice %arg5[%dma_start3A_28, %dma_start3A_29] : memref<4x40xi32, #tpu.memory_space<vmem>> -> memref<1x40xi32, #tpu.memory_space<vmem>>
    %dma_start3A_31 = tpu.memref_squeeze %dma_start3A_30 : memref<1x40xi32, #tpu.memory_space<vmem>> -> memref<40xi32, #tpu.memory_space<vmem>>
    %dma_start3A_32 = arith.constant 0 : i32
    %dma_start3A_33 = arith.constant 0 : i32
    %dma_start3A_34 = tpu.memref_slice %arg3[%dma_start3A_32, %dma_start3A_33] : memref<2048x512xi32, #tpu.memory_space<hbm>> -> memref<2048x512xi32, #tpu.memory_space<hbm>>
    tpu.enqueue_indirect_dma source(%dma_start3A_34 : memref<2048x512xi32, #tpu.memory_space<hbm>>) target(%arg9 : memref<40x512xi32, #tpu.memory_space<vmem>>) offsets(%dma_start3A_31 : memref<40xi32, #tpu.memory_space<vmem>>) semaphore(%arg10 : memref<!tpu.dma_semaphore, #tpu.memory_space<semaphore_mem>>)
    %dma_wait3A = arith.constant 0 : i32
    %dma_wait3A_35 = arith.constant 0 : i32
    %dma_wait3A_36 = tpu.memref_slice %arg5[%dma_wait3A, %dma_wait3A_35] : memref<4x40xi32, #tpu.memory_space<vmem>> -> memref<1x40xi32, #tpu.memory_space<vmem>>
    %dma_wait3A_37 = tpu.memref_squeeze %dma_wait3A_36 : memref<1x40xi32, #tpu.memory_space<vmem>> -> memref<40xi32, #tpu.memory_space<vmem>>
    %dma_wait3A_38 = arith.constant 0 : i32
    %dma_wait3A_39 = arith.constant 0 : i32
    %dma_wait3A_40 = tpu.memref_slice %arg3[%dma_wait3A_38, %dma_wait3A_39] : memref<2048x512xi32, #tpu.memory_space<hbm>> -> memref<2048x512xi32, #tpu.memory_space<hbm>>
    tpu.wait_indirect_dma semaphore(%arg10 : memref<!tpu.dma_semaphore, #tpu.memory_space<semaphore_mem>>) src(%dma_wait3A_40 : memref<2048x512xi32, #tpu.memory_space<hbm>>) dst(%arg6 : memref<40x512xi32, #tpu.memory_space<vmem>>)
    %add3A_41 = arith.constant 0 : i32
    %add3A_42 = arith.addi %multiple_of3A_7, %add3A_41 : i32
    %dma_start3A_43 = arith.constant 0 : i32
    %dma_start3A_44 = tpu.memref_slice %arg4[%add3A_42, %dma_start3A_43] : memref<5120x512xi32, #tpu.memory_space<hbm>> -> memref<40x512xi32, #tpu.memory_space<hbm>>
    %dma_start3A_45 = arith.constant 0 : i32
    %dma_start3A_46 = tpu.memref_slice %arg4[%add3A_42, %dma_start3A_45] : memref<5120x512xi32, #tpu.memory_space<hbm>> -> memref<40x512xi32, #tpu.memory_space<hbm>>
    tpu.enqueue_dma source(%arg6 : memref<40x512xi32, #tpu.memory_space<vmem>>) target(%dma_start3A_46 : memref<40x512xi32, #tpu.memory_space<hbm>>) target_semaphore(%arg11 : memref<!tpu.dma_semaphore, #tpu.memory_space<semaphore_mem>>)
    %dma_wait3A_47 = arith.constant 1 : i32
    %dma_wait3A_48 = arith.constant 0 : i32
    %dma_wait3A_49 = tpu.memref_slice %arg5[%dma_wait3A_47, %dma_wait3A_48] : memref<4x40xi32, #tpu.memory_space<vmem>> -> memref<1x40xi32, #tpu.memory_space<vmem>>
    %dma_wait3A_50 = tpu.memref_squeeze %dma_wait3A_49 : memref<1x40xi32, #tpu.memory_space<vmem>> -> memref<40xi32, #tpu.memory_space<vmem>>
    %dma_wait3A_51 = arith.constant 0 : i32
    %dma_wait3A_52 = arith.constant 0 : i32
    %dma_wait3A_53 = tpu.memref_slice %arg3[%dma_wait3A_51, %dma_wait3A_52] : memref<2048x512xi32, #tpu.memory_space<hbm>> -> memref<2048x512xi32, #tpu.memory_space<hbm>>
    tpu.wait_indirect_dma semaphore(%arg10 : memref<!tpu.dma_semaphore, #tpu.memory_space<semaphore_mem>>) src(%dma_wait3A_53 : memref<2048x512xi32, #tpu.memory_space<hbm>>) dst(%arg7 : memref<40x512xi32, #tpu.memory_space<vmem>>)
    %add3A_54 = arith.constant 40 : i32
    %add3A_55 = arith.addi %multiple_of3A_7, %add3A_54 : i32
    %dma_start3A_56 = arith.constant 0 : i32
    %dma_start3A_57 = tpu.memref_slice %arg4[%add3A_55, %dma_start3A_56] : memref<5120x512xi32, #tpu.memory_space<hbm>> -> memref<40x512xi32, #tpu.memory_space<hbm>>
    %dma_start3A_58 = arith.constant 0 : i32
    %dma_start3A_59 = tpu.memref_slice %arg4[%add3A_55, %dma_start3A_58] : memref<5120x512xi32, #tpu.memory_space<hbm>> -> memref<40x512xi32, #tpu.memory_space<hbm>>
    tpu.enqueue_dma source(%arg7 : memref<40x512xi32, #tpu.memory_space<vmem>>) target(%dma_start3A_59 : memref<40x512xi32, #tpu.memory_space<hbm>>) target_semaphore(%arg11 : memref<!tpu.dma_semaphore, #tpu.memory_space<semaphore_mem>>)
    %dma_wait3A_60 = arith.constant 2 : i32
    %dma_wait3A_61 = arith.constant 0 : i32
    %dma_wait3A_62 = tpu.memref_slice %arg5[%dma_wait3A_60, %dma_wait3A_61] : memref<4x40xi32, #tpu.memory_space<vmem>> -> memref<1x40xi32, #tpu.memory_space<vmem>>
    %dma_wait3A_63 = tpu.memref_squeeze %dma_wait3A_62 : memref<1x40xi32, #tpu.memory_space<vmem>> -> memref<40xi32, #tpu.memory_space<vmem>>
    %dma_wait3A_64 = arith.constant 0 : i32
    %dma_wait3A_65 = arith.constant 0 : i32
    %dma_wait3A_66 = tpu.memref_slice %arg3[%dma_wait3A_64, %dma_wait3A_65] : memref<2048x512xi32, #tpu.memory_space<hbm>> -> memref<2048x512xi32, #tpu.memory_space<hbm>>
    tpu.wait_indirect_dma semaphore(%arg10 : memref<!tpu.dma_semaphore, #tpu.memory_space<semaphore_mem>>) src(%dma_wait3A_66 : memref<2048x512xi32, #tpu.memory_space<hbm>>) dst(%arg8 : memref<40x512xi32, #tpu.memory_space<vmem>>)
    %add3A_67 = arith.constant 80 : i32
    %add3A_68 = arith.addi %multiple_of3A_7, %add3A_67 : i32
    %dma_start3A_69 = arith.constant 0 : i32
    %dma_start3A_70 = tpu.memref_slice %arg4[%add3A_68, %dma_start3A_69] : memref<5120x512xi32, #tpu.memory_space<hbm>> -> memref<40x512xi32, #tpu.memory_space<hbm>>
    %dma_start3A_71 = arith.constant 0 : i32
    %dma_start3A_72 = tpu.memref_slice %arg4[%add3A_68, %dma_start3A_71] : memref<5120x512xi32, #tpu.memory_space<hbm>> -> memref<40x512xi32, #tpu.memory_space<hbm>>
    tpu.enqueue_dma source(%arg8 : memref<40x512xi32, #tpu.memory_space<vmem>>) target(%dma_start3A_72 : memref<40x512xi32, #tpu.memory_space<hbm>>) target_semaphore(%arg11 : memref<!tpu.dma_semaphore, #tpu.memory_space<semaphore_mem>>)
    %dma_wait3A_73 = arith.constant 3 : i32
    %dma_wait3A_74 = arith.constant 0 : i32
    %dma_wait3A_75 = tpu.memref_slice %arg5[%dma_wait3A_73, %dma_wait3A_74] : memref<4x40xi32, #tpu.memory_space<vmem>> -> memref<1x40xi32, #tpu.memory_space<vmem>>
    %dma_wait3A_76 = tpu.memref_squeeze %dma_wait3A_75 : memref<1x40xi32, #tpu.memory_space<vmem>> -> memref<40xi32, #tpu.memory_space<vmem>>
    %dma_wait3A_77 = arith.constant 0 : i32
    %dma_wait3A_78 = arith.constant 0 : i32
    %dma_wait3A_79 = tpu.memref_slice %arg3[%dma_wait3A_77, %dma_wait3A_78] : memref<2048x512xi32, #tpu.memory_space<hbm>> -> memref<2048x512xi32, #tpu.memory_space<hbm>>
    tpu.wait_indirect_dma semaphore(%arg10 : memref<!tpu.dma_semaphore, #tpu.memory_space<semaphore_mem>>) src(%dma_wait3A_79 : memref<2048x512xi32, #tpu.memory_space<hbm>>) dst(%arg9 : memref<40x512xi32, #tpu.memory_space<vmem>>)
    %add3A_80 = arith.constant 120 : i32
    %add3A_81 = arith.addi %multiple_of3A_7, %add3A_80 : i32
    %dma_start3A_82 = arith.constant 0 : i32
    %dma_start3A_83 = tpu.memref_slice %arg4[%add3A_81, %dma_start3A_82] : memref<5120x512xi32, #tpu.memory_space<hbm>> -> memref<40x512xi32, #tpu.memory_space<hbm>>
    %dma_start3A_84 = arith.constant 0 : i32
    %dma_start3A_85 = tpu.memref_slice %arg4[%add3A_81, %dma_start3A_84] : memref<5120x512xi32, #tpu.memory_space<hbm>> -> memref<40x512xi32, #tpu.memory_space<hbm>>
    tpu.enqueue_dma source(%arg9 : memref<40x512xi32, #tpu.memory_space<vmem>>) target(%dma_start3A_85 : memref<40x512xi32, #tpu.memory_space<hbm>>) target_semaphore(%arg11 : memref<!tpu.dma_semaphore, #tpu.memory_space<semaphore_mem>>)
    %dma_wait3A_86 = arith.constant 0 : i32
    %dma_wait3A_87 = tpu.memref_slice %arg4[%add3A_42, %dma_wait3A_86] : memref<5120x512xi32, #tpu.memory_space<hbm>> -> memref<40x512xi32, #tpu.memory_space<hbm>>
    %dma_wait3A_88 = arith.constant 0 : i32
    %dma_wait3A_89 = tpu.memref_slice %arg4[%add3A_42, %dma_wait3A_88] : memref<5120x512xi32, #tpu.memory_space<hbm>> -> memref<40x512xi32, #tpu.memory_space<hbm>>
    tpu.wait_dma2 semaphore(%arg11 : memref<!tpu.dma_semaphore, #tpu.memory_space<semaphore_mem>>) src(%arg6 : memref<40x512xi32, #tpu.memory_space<vmem>>) dst(%dma_wait3A_89 : memref<40x512xi32, #tpu.memory_space<hbm>>)
    %dma_wait3A_90 = arith.constant 0 : i32
    %dma_wait3A_91 = tpu.memref_slice %arg4[%add3A_55, %dma_wait3A_90] : memref<5120x512xi32, #tpu.memory_space<hbm>> -> memref<40x512xi32, #tpu.memory_space<hbm>>
    %dma_wait3A_92 = arith.constant 0 : i32
    %dma_wait3A_93 = tpu.memref_slice %arg4[%add3A_55, %dma_wait3A_92] : memref<5120x512xi32, #tpu.memory_space<hbm>> -> memref<40x512xi32, #tpu.memory_space<hbm>>
    tpu.wait_dma2 semaphore(%arg11 : memref<!tpu.dma_semaphore, #tpu.memory_space<semaphore_mem>>) src(%arg7 : memref<40x512xi32, #tpu.memory_space<vmem>>) dst(%dma_wait3A_93 : memref<40x512xi32, #tpu.memory_space<hbm>>)
    %dma_wait3A_94 = arith.constant 0 : i32
    %dma_wait3A_95 = tpu.memref_slice %arg4[%add3A_68, %dma_wait3A_94] : memref<5120x512xi32, #tpu.memory_space<hbm>> -> memref<40x512xi32, #tpu.memory_space<hbm>>
    %dma_wait3A_96 = arith.constant 0 : i32
    %dma_wait3A_97 = tpu.memref_slice %arg4[%add3A_68, %dma_wait3A_96] : memref<5120x512xi32, #tpu.memory_space<hbm>> -> memref<40x512xi32, #tpu.memory_space<hbm>>
    tpu.wait_dma2 semaphore(%arg11 : memref<!tpu.dma_semaphore, #tpu.memory_space<semaphore_mem>>) src(%arg8 : memref<40x512xi32, #tpu.memory_space<vmem>>) dst(%dma_wait3A_97 : memref<40x512xi32, #tpu.memory_space<hbm>>)
    %dma_wait3A_98 = arith.constant 0 : i32
    %dma_wait3A_99 = tpu.memref_slice %arg4[%add3A_81, %dma_wait3A_98] : memref<5120x512xi32, #tpu.memory_space<hbm>> -> memref<40x512xi32, #tpu.memory_space<hbm>>
    %dma_wait3A_100 = arith.constant 0 : i32
    %dma_wait3A_101 = tpu.memref_slice %arg4[%add3A_81, %dma_wait3A_100] : memref<5120x512xi32, #tpu.memory_space<hbm>> -> memref<40x512xi32, #tpu.memory_space<hbm>>
    tpu.wait_dma2 semaphore(%arg11 : memref<!tpu.dma_semaphore, #tpu.memory_space<semaphore_mem>>) src(%arg9 : memref<40x512xi32, #tpu.memory_space<vmem>>) dst(%dma_wait3A_101 : memref<40x512xi32, #tpu.memory_space<hbm>>)
    return
  }
}

#map = affine_map<(d0, d1) -> (0, 0)>
module attributes {stable_mosaic.version = 14 : i64} {
  func.func @combine(%arg0: i32, %arg1: i32, %arg2: memref<5120x512xi32, #tpu.memory_space<hbm>>, %arg3: memref<128x32xi32, #tpu.memory_space<hbm>>, %arg4: memref<2048x512xi32, #tpu.memory_space<hbm>>, %arg5: memref<2048x512xi32, #tpu.memory_space<hbm>>, %arg6: memref<2x32xi32, #tpu.memory_space<vmem>>, %arg7: memref<2x32xi32, #tpu.memory_space<vmem>>, %arg8: memref<32x512xi32, #tpu.memory_space<vmem>>, %arg9: memref<32x512xi32, #tpu.memory_space<vmem>>, %arg10: memref<32x512xi32, #tpu.memory_space<vmem>>, %arg11: memref<32x512xi32, #tpu.memory_space<vmem>>, %arg12: memref<!tpu.dma_semaphore, #tpu.memory_space<semaphore_mem>>, %arg13: memref<!tpu.dma_semaphore, #tpu.memory_space<semaphore_mem>>) attributes {dimension_semantics = [#tpu.dimension_semantics<core_parallel>, #tpu.dimension_semantics<subcore_parallel>], iteration_bounds = array<i64: 2, 16>, scalar_prefetch = 0 : i64, scratch_operands = 8 : i64, tpu.core_type = #tpu.core_type<sc_vector_subcore>, window_params = [{transform_indices = #map}, {transform_indices = #map}, {transform_indices = #map}, {transform_indices = #map}]} {
    %mul3A = arith.constant 2 : i32
    %mul3A_0 = arith.muli %arg1, %mul3A : i32
    %add3A = arith.addi %mul3A_0, %arg0 : i32
    %mul3A_1 = arith.constant 2 : i32
    %mul3A_2 = arith.muli %add3A, %mul3A_1 : i32
    %multiple_of3A = tpu.assume_multiple %mul3A_2, 2 : i32
    %mul3A_3 = arith.constant 2 : i32
    %mul3A_4 = arith.muli %add3A, %mul3A_3 : i32
    %add3A_5 = arith.constant 64 : i32
    %add3A_6 = arith.addi %add3A_5, %mul3A_4 : i32
    %multiple_of3A_7 = tpu.assume_multiple %add3A_6, 2 : i32
    "tpu.region"() ({
      %run_scoped3A = tpu.sem_alloc : memref<!tpu.dma_semaphore, #tpu.memory_space<semaphore_mem>>
      %dma_start3A_105 = arith.constant 0 : i32
      %dma_start3A_106 = tpu.memref_slice %arg3[%multiple_of3A, %dma_start3A_105] : memref<128x32xi32, #tpu.memory_space<hbm>> -> memref<2x32xi32, #tpu.memory_space<hbm>>
      %dma_start3A_107 = arith.constant 0 : i32
      %dma_start3A_108 = tpu.memref_slice %arg3[%multiple_of3A, %dma_start3A_107] : memref<128x32xi32, #tpu.memory_space<hbm>> -> memref<2x32xi32, #tpu.memory_space<hbm>>
      tpu.enqueue_dma source(%dma_start3A_108 : memref<2x32xi32, #tpu.memory_space<hbm>>) target(%arg6 : memref<2x32xi32, #tpu.memory_space<vmem>>) target_semaphore(%run_scoped3A : memref<!tpu.dma_semaphore, #tpu.memory_space<semaphore_mem>>)
      %dma_wait3A_109 = arith.constant 0 : i32
      %dma_wait3A_110 = tpu.memref_slice %arg3[%multiple_of3A, %dma_wait3A_109] : memref<128x32xi32, #tpu.memory_space<hbm>> -> memref<2x32xi32, #tpu.memory_space<hbm>>
      %dma_wait3A_111 = arith.constant 0 : i32
      %dma_wait3A_112 = tpu.memref_slice %arg3[%multiple_of3A, %dma_wait3A_111] : memref<128x32xi32, #tpu.memory_space<hbm>> -> memref<2x32xi32, #tpu.memory_space<hbm>>
      tpu.wait_dma2 semaphore(%run_scoped3A : memref<!tpu.dma_semaphore, #tpu.memory_space<semaphore_mem>>) src(%dma_wait3A_112 : memref<2x32xi32, #tpu.memory_space<hbm>>) dst(%arg6 : memref<2x32xi32, #tpu.memory_space<vmem>>)
      tpu.yield
    }) : () -> ()
    "tpu.region"() ({
      %run_scoped3A = tpu.sem_alloc : memref<!tpu.dma_semaphore, #tpu.memory_space<semaphore_mem>>
      %dma_start3A_105 = arith.constant 0 : i32
      %dma_start3A_106 = tpu.memref_slice %arg3[%multiple_of3A_7, %dma_start3A_105] : memref<128x32xi32, #tpu.memory_space<hbm>> -> memref<2x32xi32, #tpu.memory_space<hbm>>
      %dma_start3A_107 = arith.constant 0 : i32
      %dma_start3A_108 = tpu.memref_slice %arg3[%multiple_of3A_7, %dma_start3A_107] : memref<128x32xi32, #tpu.memory_space<hbm>> -> memref<2x32xi32, #tpu.memory_space<hbm>>
      tpu.enqueue_dma source(%dma_start3A_108 : memref<2x32xi32, #tpu.memory_space<hbm>>) target(%arg7 : memref<2x32xi32, #tpu.memory_space<vmem>>) target_semaphore(%run_scoped3A : memref<!tpu.dma_semaphore, #tpu.memory_space<semaphore_mem>>)
      %dma_wait3A_109 = arith.constant 0 : i32
      %dma_wait3A_110 = tpu.memref_slice %arg3[%multiple_of3A_7, %dma_wait3A_109] : memref<128x32xi32, #tpu.memory_space<hbm>> -> memref<2x32xi32, #tpu.memory_space<hbm>>
      %dma_wait3A_111 = arith.constant 0 : i32
      %dma_wait3A_112 = tpu.memref_slice %arg3[%multiple_of3A_7, %dma_wait3A_111] : memref<128x32xi32, #tpu.memory_space<hbm>> -> memref<2x32xi32, #tpu.memory_space<hbm>>
      tpu.wait_dma2 semaphore(%run_scoped3A : memref<!tpu.dma_semaphore, #tpu.memory_space<semaphore_mem>>) src(%dma_wait3A_112 : memref<2x32xi32, #tpu.memory_space<hbm>>) dst(%arg7 : memref<2x32xi32, #tpu.memory_space<vmem>>)
      tpu.yield
    }) : () -> ()
    %mul3A_8 = arith.constant 64 : i32
    %mul3A_9 = arith.muli %add3A, %mul3A_8 : i32
    %multiple_of3A_10 = tpu.assume_multiple %mul3A_9, 64 : i32
    %dma_start3A = arith.constant 0 : i32
    %dma_start3A_11 = arith.constant 0 : i32
    %dma_start3A_12 = tpu.memref_slice %arg6[%dma_start3A, %dma_start3A_11] : memref<2x32xi32, #tpu.memory_space<vmem>> -> memref<1x32xi32, #tpu.memory_space<vmem>>
    %dma_start3A_13 = tpu.memref_squeeze %dma_start3A_12 : memref<1x32xi32, #tpu.memory_space<vmem>> -> memref<32xi32, #tpu.memory_space<vmem>>
    %dma_start3A_14 = arith.constant 0 : i32
    %dma_start3A_15 = arith.constant 0 : i32
    %dma_start3A_16 = tpu.memref_slice %arg2[%dma_start3A_14, %dma_start3A_15] : memref<5120x512xi32, #tpu.memory_space<hbm>> -> memref<5120x512xi32, #tpu.memory_space<hbm>>
    tpu.enqueue_indirect_dma source(%dma_start3A_16 : memref<5120x512xi32, #tpu.memory_space<hbm>>) target(%arg8 : memref<32x512xi32, #tpu.memory_space<vmem>>) offsets(%dma_start3A_13 : memref<32xi32, #tpu.memory_space<vmem>>) semaphore(%arg12 : memref<!tpu.dma_semaphore, #tpu.memory_space<semaphore_mem>>)
    %dma_start3A_17 = arith.constant 1 : i32
    %dma_start3A_18 = arith.constant 0 : i32
    %dma_start3A_19 = tpu.memref_slice %arg6[%dma_start3A_17, %dma_start3A_18] : memref<2x32xi32, #tpu.memory_space<vmem>> -> memref<1x32xi32, #tpu.memory_space<vmem>>
    %dma_start3A_20 = tpu.memref_squeeze %dma_start3A_19 : memref<1x32xi32, #tpu.memory_space<vmem>> -> memref<32xi32, #tpu.memory_space<vmem>>
    %dma_start3A_21 = arith.constant 0 : i32
    %dma_start3A_22 = arith.constant 0 : i32
    %dma_start3A_23 = tpu.memref_slice %arg2[%dma_start3A_21, %dma_start3A_22] : memref<5120x512xi32, #tpu.memory_space<hbm>> -> memref<5120x512xi32, #tpu.memory_space<hbm>>
    tpu.enqueue_indirect_dma source(%dma_start3A_23 : memref<5120x512xi32, #tpu.memory_space<hbm>>) target(%arg9 : memref<32x512xi32, #tpu.memory_space<vmem>>) offsets(%dma_start3A_20 : memref<32xi32, #tpu.memory_space<vmem>>) semaphore(%arg12 : memref<!tpu.dma_semaphore, #tpu.memory_space<semaphore_mem>>)
    %dma_start3A_24 = arith.constant 0 : i32
    %dma_start3A_25 = arith.constant 0 : i32
    %dma_start3A_26 = tpu.memref_slice %arg7[%dma_start3A_24, %dma_start3A_25] : memref<2x32xi32, #tpu.memory_space<vmem>> -> memref<1x32xi32, #tpu.memory_space<vmem>>
    %dma_start3A_27 = tpu.memref_squeeze %dma_start3A_26 : memref<1x32xi32, #tpu.memory_space<vmem>> -> memref<32xi32, #tpu.memory_space<vmem>>
    %dma_start3A_28 = arith.constant 0 : i32
    %dma_start3A_29 = arith.constant 0 : i32
    %dma_start3A_30 = tpu.memref_slice %arg2[%dma_start3A_28, %dma_start3A_29] : memref<5120x512xi32, #tpu.memory_space<hbm>> -> memref<5120x512xi32, #tpu.memory_space<hbm>>
    tpu.enqueue_indirect_dma source(%dma_start3A_30 : memref<5120x512xi32, #tpu.memory_space<hbm>>) target(%arg10 : memref<32x512xi32, #tpu.memory_space<vmem>>) offsets(%dma_start3A_27 : memref<32xi32, #tpu.memory_space<vmem>>) semaphore(%arg12 : memref<!tpu.dma_semaphore, #tpu.memory_space<semaphore_mem>>)
    %dma_start3A_31 = arith.constant 1 : i32
    %dma_start3A_32 = arith.constant 0 : i32
    %dma_start3A_33 = tpu.memref_slice %arg7[%dma_start3A_31, %dma_start3A_32] : memref<2x32xi32, #tpu.memory_space<vmem>> -> memref<1x32xi32, #tpu.memory_space<vmem>>
    %dma_start3A_34 = tpu.memref_squeeze %dma_start3A_33 : memref<1x32xi32, #tpu.memory_space<vmem>> -> memref<32xi32, #tpu.memory_space<vmem>>
    %dma_start3A_35 = arith.constant 0 : i32
    %dma_start3A_36 = arith.constant 0 : i32
    %dma_start3A_37 = tpu.memref_slice %arg2[%dma_start3A_35, %dma_start3A_36] : memref<5120x512xi32, #tpu.memory_space<hbm>> -> memref<5120x512xi32, #tpu.memory_space<hbm>>
    tpu.enqueue_indirect_dma source(%dma_start3A_37 : memref<5120x512xi32, #tpu.memory_space<hbm>>) target(%arg11 : memref<32x512xi32, #tpu.memory_space<vmem>>) offsets(%dma_start3A_34 : memref<32xi32, #tpu.memory_space<vmem>>) semaphore(%arg12 : memref<!tpu.dma_semaphore, #tpu.memory_space<semaphore_mem>>)
    %dma_wait3A = arith.constant 0 : i32
    %dma_wait3A_38 = arith.constant 0 : i32
    %dma_wait3A_39 = tpu.memref_slice %arg6[%dma_wait3A, %dma_wait3A_38] : memref<2x32xi32, #tpu.memory_space<vmem>> -> memref<1x32xi32, #tpu.memory_space<vmem>>
    %dma_wait3A_40 = tpu.memref_squeeze %dma_wait3A_39 : memref<1x32xi32, #tpu.memory_space<vmem>> -> memref<32xi32, #tpu.memory_space<vmem>>
    %dma_wait3A_41 = arith.constant 0 : i32
    %dma_wait3A_42 = arith.constant 0 : i32
    %dma_wait3A_43 = tpu.memref_slice %arg2[%dma_wait3A_41, %dma_wait3A_42] : memref<5120x512xi32, #tpu.memory_space<hbm>> -> memref<5120x512xi32, #tpu.memory_space<hbm>>
    tpu.wait_indirect_dma semaphore(%arg12 : memref<!tpu.dma_semaphore, #tpu.memory_space<semaphore_mem>>) src(%dma_wait3A_43 : memref<5120x512xi32, #tpu.memory_space<hbm>>) dst(%arg8 : memref<32x512xi32, #tpu.memory_space<vmem>>)
    %add3A_44 = arith.constant 0 : i32
    %add3A_45 = arith.addi %multiple_of3A_10, %add3A_44 : i32
    %dma_start3A_46 = arith.constant 0 : i32
    %dma_start3A_47 = tpu.memref_slice %arg4[%add3A_45, %dma_start3A_46] : memref<2048x512xi32, #tpu.memory_space<hbm>> -> memref<32x512xi32, #tpu.memory_space<hbm>>
    %dma_start3A_48 = arith.constant 0 : i32
    %dma_start3A_49 = tpu.memref_slice %arg4[%add3A_45, %dma_start3A_48] : memref<2048x512xi32, #tpu.memory_space<hbm>> -> memref<32x512xi32, #tpu.memory_space<hbm>>
    tpu.enqueue_dma source(%arg8 : memref<32x512xi32, #tpu.memory_space<vmem>>) target(%dma_start3A_49 : memref<32x512xi32, #tpu.memory_space<hbm>>) target_semaphore(%arg13 : memref<!tpu.dma_semaphore, #tpu.memory_space<semaphore_mem>>)
    %dma_wait3A_50 = arith.constant 1 : i32
    %dma_wait3A_51 = arith.constant 0 : i32
    %dma_wait3A_52 = tpu.memref_slice %arg6[%dma_wait3A_50, %dma_wait3A_51] : memref<2x32xi32, #tpu.memory_space<vmem>> -> memref<1x32xi32, #tpu.memory_space<vmem>>
    %dma_wait3A_53 = tpu.memref_squeeze %dma_wait3A_52 : memref<1x32xi32, #tpu.memory_space<vmem>> -> memref<32xi32, #tpu.memory_space<vmem>>
    %dma_wait3A_54 = arith.constant 0 : i32
    %dma_wait3A_55 = arith.constant 0 : i32
    %dma_wait3A_56 = tpu.memref_slice %arg2[%dma_wait3A_54, %dma_wait3A_55] : memref<5120x512xi32, #tpu.memory_space<hbm>> -> memref<5120x512xi32, #tpu.memory_space<hbm>>
    tpu.wait_indirect_dma semaphore(%arg12 : memref<!tpu.dma_semaphore, #tpu.memory_space<semaphore_mem>>) src(%dma_wait3A_56 : memref<5120x512xi32, #tpu.memory_space<hbm>>) dst(%arg9 : memref<32x512xi32, #tpu.memory_space<vmem>>)
    %add3A_57 = arith.constant 32 : i32
    %add3A_58 = arith.addi %multiple_of3A_10, %add3A_57 : i32
    %dma_start3A_59 = arith.constant 0 : i32
    %dma_start3A_60 = tpu.memref_slice %arg4[%add3A_58, %dma_start3A_59] : memref<2048x512xi32, #tpu.memory_space<hbm>> -> memref<32x512xi32, #tpu.memory_space<hbm>>
    %dma_start3A_61 = arith.constant 0 : i32
    %dma_start3A_62 = tpu.memref_slice %arg4[%add3A_58, %dma_start3A_61] : memref<2048x512xi32, #tpu.memory_space<hbm>> -> memref<32x512xi32, #tpu.memory_space<hbm>>
    tpu.enqueue_dma source(%arg9 : memref<32x512xi32, #tpu.memory_space<vmem>>) target(%dma_start3A_62 : memref<32x512xi32, #tpu.memory_space<hbm>>) target_semaphore(%arg13 : memref<!tpu.dma_semaphore, #tpu.memory_space<semaphore_mem>>)
    %dma_wait3A_63 = arith.constant 0 : i32
    %dma_wait3A_64 = arith.constant 0 : i32
    %dma_wait3A_65 = tpu.memref_slice %arg7[%dma_wait3A_63, %dma_wait3A_64] : memref<2x32xi32, #tpu.memory_space<vmem>> -> memref<1x32xi32, #tpu.memory_space<vmem>>
    %dma_wait3A_66 = tpu.memref_squeeze %dma_wait3A_65 : memref<1x32xi32, #tpu.memory_space<vmem>> -> memref<32xi32, #tpu.memory_space<vmem>>
    %dma_wait3A_67 = arith.constant 0 : i32
    %dma_wait3A_68 = arith.constant 0 : i32
    %dma_wait3A_69 = tpu.memref_slice %arg2[%dma_wait3A_67, %dma_wait3A_68] : memref<5120x512xi32, #tpu.memory_space<hbm>> -> memref<5120x512xi32, #tpu.memory_space<hbm>>
    tpu.wait_indirect_dma semaphore(%arg12 : memref<!tpu.dma_semaphore, #tpu.memory_space<semaphore_mem>>) src(%dma_wait3A_69 : memref<5120x512xi32, #tpu.memory_space<hbm>>) dst(%arg10 : memref<32x512xi32, #tpu.memory_space<vmem>>)
    %add3A_70 = arith.constant 0 : i32
    %add3A_71 = arith.addi %multiple_of3A_10, %add3A_70 : i32
    %dma_start3A_72 = arith.constant 0 : i32
    %dma_start3A_73 = tpu.memref_slice %arg5[%add3A_71, %dma_start3A_72] : memref<2048x512xi32, #tpu.memory_space<hbm>> -> memref<32x512xi32, #tpu.memory_space<hbm>>
    %dma_start3A_74 = arith.constant 0 : i32
    %dma_start3A_75 = tpu.memref_slice %arg5[%add3A_71, %dma_start3A_74] : memref<2048x512xi32, #tpu.memory_space<hbm>> -> memref<32x512xi32, #tpu.memory_space<hbm>>
    tpu.enqueue_dma source(%arg10 : memref<32x512xi32, #tpu.memory_space<vmem>>) target(%dma_start3A_75 : memref<32x512xi32, #tpu.memory_space<hbm>>) target_semaphore(%arg13 : memref<!tpu.dma_semaphore, #tpu.memory_space<semaphore_mem>>)
    %dma_wait3A_76 = arith.constant 1 : i32
    %dma_wait3A_77 = arith.constant 0 : i32
    %dma_wait3A_78 = tpu.memref_slice %arg7[%dma_wait3A_76, %dma_wait3A_77] : memref<2x32xi32, #tpu.memory_space<vmem>> -> memref<1x32xi32, #tpu.memory_space<vmem>>
    %dma_wait3A_79 = tpu.memref_squeeze %dma_wait3A_78 : memref<1x32xi32, #tpu.memory_space<vmem>> -> memref<32xi32, #tpu.memory_space<vmem>>
    %dma_wait3A_80 = arith.constant 0 : i32
    %dma_wait3A_81 = arith.constant 0 : i32
    %dma_wait3A_82 = tpu.memref_slice %arg2[%dma_wait3A_80, %dma_wait3A_81] : memref<5120x512xi32, #tpu.memory_space<hbm>> -> memref<5120x512xi32, #tpu.memory_space<hbm>>
    tpu.wait_indirect_dma semaphore(%arg12 : memref<!tpu.dma_semaphore, #tpu.memory_space<semaphore_mem>>) src(%dma_wait3A_82 : memref<5120x512xi32, #tpu.memory_space<hbm>>) dst(%arg11 : memref<32x512xi32, #tpu.memory_space<vmem>>)
    %add3A_83 = arith.constant 32 : i32
    %add3A_84 = arith.addi %multiple_of3A_10, %add3A_83 : i32
    %dma_start3A_85 = arith.constant 0 : i32
    %dma_start3A_86 = tpu.memref_slice %arg5[%add3A_84, %dma_start3A_85] : memref<2048x512xi32, #tpu.memory_space<hbm>> -> memref<32x512xi32, #tpu.memory_space<hbm>>
    %dma_start3A_87 = arith.constant 0 : i32
    %dma_start3A_88 = tpu.memref_slice %arg5[%add3A_84, %dma_start3A_87] : memref<2048x512xi32, #tpu.memory_space<hbm>> -> memref<32x512xi32, #tpu.memory_space<hbm>>
    tpu.enqueue_dma source(%arg11 : memref<32x512xi32, #tpu.memory_space<vmem>>) target(%dma_start3A_88 : memref<32x512xi32, #tpu.memory_space<hbm>>) target_semaphore(%arg13 : memref<!tpu.dma_semaphore, #tpu.memory_space<semaphore_mem>>)
    %dma_wait3A_89 = arith.constant 0 : i32
    %dma_wait3A_90 = tpu.memref_slice %arg4[%add3A_45, %dma_wait3A_89] : memref<2048x512xi32, #tpu.memory_space<hbm>> -> memref<32x512xi32, #tpu.memory_space<hbm>>
    %dma_wait3A_91 = arith.constant 0 : i32
    %dma_wait3A_92 = tpu.memref_slice %arg4[%add3A_45, %dma_wait3A_91] : memref<2048x512xi32, #tpu.memory_space<hbm>> -> memref<32x512xi32, #tpu.memory_space<hbm>>
    tpu.wait_dma2 semaphore(%arg13 : memref<!tpu.dma_semaphore, #tpu.memory_space<semaphore_mem>>) src(%arg8 : memref<32x512xi32, #tpu.memory_space<vmem>>) dst(%dma_wait3A_92 : memref<32x512xi32, #tpu.memory_space<hbm>>)
    %dma_wait3A_93 = arith.constant 0 : i32
    %dma_wait3A_94 = tpu.memref_slice %arg4[%add3A_58, %dma_wait3A_93] : memref<2048x512xi32, #tpu.memory_space<hbm>> -> memref<32x512xi32, #tpu.memory_space<hbm>>
    %dma_wait3A_95 = arith.constant 0 : i32
    %dma_wait3A_96 = tpu.memref_slice %arg4[%add3A_58, %dma_wait3A_95] : memref<2048x512xi32, #tpu.memory_space<hbm>> -> memref<32x512xi32, #tpu.memory_space<hbm>>
    tpu.wait_dma2 semaphore(%arg13 : memref<!tpu.dma_semaphore, #tpu.memory_space<semaphore_mem>>) src(%arg9 : memref<32x512xi32, #tpu.memory_space<vmem>>) dst(%dma_wait3A_96 : memref<32x512xi32, #tpu.memory_space<hbm>>)
    %dma_wait3A_97 = arith.constant 0 : i32
    %dma_wait3A_98 = tpu.memref_slice %arg5[%add3A_71, %dma_wait3A_97] : memref<2048x512xi32, #tpu.memory_space<hbm>> -> memref<32x512xi32, #tpu.memory_space<hbm>>
    %dma_wait3A_99 = arith.constant 0 : i32
    %dma_wait3A_100 = tpu.memref_slice %arg5[%add3A_71, %dma_wait3A_99] : memref<2048x512xi32, #tpu.memory_space<hbm>> -> memref<32x512xi32, #tpu.memory_space<hbm>>
    tpu.wait_dma2 semaphore(%arg13 : memref<!tpu.dma_semaphore, #tpu.memory_space<semaphore_mem>>) src(%arg10 : memref<32x512xi32, #tpu.memory_space<vmem>>) dst(%dma_wait3A_100 : memref<32x512xi32, #tpu.memory_space<hbm>>)
    %dma_wait3A_101 = arith.constant 0 : i32
    %dma_wait3A_102 = tpu.memref_slice %arg5[%add3A_84, %dma_wait3A_101] : memref<2048x512xi32, #tpu.memory_space<hbm>> -> memref<32x512xi32, #tpu.memory_space<hbm>>
    %dma_wait3A_103 = arith.constant 0 : i32
    %dma_wait3A_104 = tpu.memref_slice %arg5[%add3A_84, %dma_wait3A_103] : memref<2048x512xi32, #tpu.memory_space<hbm>> -> memref<32x512xi32, #tpu.memory_space<hbm>>
    tpu.wait_dma2 semaphore(%arg13 : memref<!tpu.dma_semaphore, #tpu.memory_space<semaphore_mem>>) src(%arg11 : memref<32x512xi32, #tpu.memory_space<vmem>>) dst(%dma_wait3A_104 : memref<32x512xi32, #tpu.memory_space<hbm>>)
    return
  }
}

module attributes {stable_mosaic.version = 14 : i64} {
  func.func @_gating_kernel(%arg0: i32, %arg1: memref<2048x1024xf32, #tpu.memory_space<vmem>>, %arg2: memref<1024x512xf32, #tpu.memory_space<vmem>>, %arg3: memref<1x512xf32, #tpu.memory_space<vmem>>, %arg4: memref<1x512xf32, #tpu.memory_space<vmem>>, %arg5: memref<1x512xf32, #tpu.memory_space<vmem>>, %arg6: memref<512x8xf32, #tpu.memory_space<vmem>>, %arg7: memref<1x8xf32, #tpu.memory_space<vmem>>, %arg8: memref<2048x8xf32, #tpu.memory_space<vmem>>, %arg9: memref<2048x2xi32, #tpu.memory_space<vmem>>, %arg10: memref<2048x2xf32, #tpu.memory_space<vmem>>, %arg11: memref<2048x1024xbf16, #tpu.memory_space<vmem>>) attributes {dimension_semantics = [#tpu.dimension_semantics<arbitrary>], iteration_bounds = array<i64: 1>, scalar_prefetch = 0 : i64, scratch_operands = 0 : i64, tpu.core_type = #tpu.core_type<tc>, window_params = [{pipeline_mode = #tpu.pipeline_mode<synchronous>, transform_indices = @transform_0, window_bounds = array<i64: 2048, 1024>}, {pipeline_mode = #tpu.pipeline_mode<synchronous>, transform_indices = @transform_1, window_bounds = array<i64: 1024, 512>}, {pipeline_mode = #tpu.pipeline_mode<synchronous>, transform_indices = @transform_2, window_bounds = array<i64: 1, 512>}, {pipeline_mode = #tpu.pipeline_mode<synchronous>, transform_indices = @transform_3, window_bounds = array<i64: 1, 512>}, {pipeline_mode = #tpu.pipeline_mode<synchronous>, transform_indices = @transform_4, window_bounds = array<i64: 1, 512>}, {pipeline_mode = #tpu.pipeline_mode<synchronous>, transform_indices = @transform_5, window_bounds = array<i64: 512, 8>}, {pipeline_mode = #tpu.pipeline_mode<synchronous>, transform_indices = @transform_6, window_bounds = array<i64: 1, 8>}, {pipeline_mode = #tpu.pipeline_mode<synchronous>, transform_indices = @transform_7, window_bounds = array<i64: 2048, 8>}, {pipeline_mode = #tpu.pipeline_mode<synchronous>, transform_indices = @transform_8, window_bounds = array<i64: 2048, 2>}, {pipeline_mode = #tpu.pipeline_mode<synchronous>, transform_indices = @transform_9, window_bounds = array<i64: 2048, 2>}, {pipeline_mode = #tpu.pipeline_mode<synchronous>, transform_indices = @transform_10, window_bounds = array<i64: 2048, 1024>}]} {
    %get3A = arith.constant 0 : index
    %get3A_0 = arith.constant 0 : index
    %get3A_1 = vector.load %arg1[%get3A, %get3A_0] : memref<2048x1024xf32, #tpu.memory_space<vmem>>, vector<2048x1024xf32>
    %convert_element_type3A = arith.truncf %get3A_1 : vector<2048x1024xf32> to vector<2048x1024xbf16>
    %swap3A = arith.constant 0 : index
    %swap3A_2 = arith.constant 0 : index
    %swap3A_3 = vector.load %arg11[%swap3A, %swap3A_2] : memref<2048x1024xbf16, #tpu.memory_space<vmem>>, vector<2048x1024xbf16>
    tpu.vector_store %arg11[%swap3A, %swap3A_2], %convert_element_type3A {strides = array<i32>} : memref<2048x1024xbf16, #tpu.memory_space<vmem>>, vector<2048x1024xbf16>,
    %get3A_4 = arith.constant 0 : index
    %get3A_5 = arith.constant 0 : index
    %get3A_6 = vector.load %arg2[%get3A_4, %get3A_5] : memref<1024x512xf32, #tpu.memory_space<vmem>>, vector<1024x512xf32>
    %dot_general3A = arith.constant dense<0.000000e+00> : vector<2048x512xf32>
    %dot_general3A_7 = tpu.matmul %get3A_1, %get3A_6, %dot_general3A {dimension_numbers = #tpu.dot_dimension_numbers<[1], [0], [0], [1], [0, 0, 1, 1], [], []>, transpose_lhs_hint = false} : vector<2048x1024xf32>, vector<1024x512xf32>, vector<2048x512xf32> -> vector<2048x512xf32>
    %get3A_8 = arith.constant 0 : index
    %get3A_9 = arith.constant 0 : index
    %get3A_10 = vector.load %arg3[%get3A_8, %get3A_9] : memref<1x512xf32, #tpu.memory_space<vmem>>, vector<1x512xf32>
    %get3A_11 = vector.shape_cast %get3A_10 : vector<1x512xf32> to vector<512xf32>
    %broadcast_in_dim3A = vector.shape_cast %get3A_11 : vector<512xf32> to vector<1x512xf32>
    %add3A = vector.broadcast %broadcast_in_dim3A : vector<1x512xf32> to vector<2048x512xf32>
    %add3A_12 = arith.addf %dot_general3A_7, %add3A : vector<2048x512xf32>
    %reduce_sum3A = arith.constant dense<0.000000e+00> : vector<2048xf32>
    %reduce_sum3A_13 = vector.multi_reduction <add>, %add3A_12, %reduce_sum3A [1] : vector<2048x512xf32> to vector<2048xf32>
    %broadcast_in_dim3A_14 = vector.shape_cast %reduce_sum3A_13 : vector<2048xf32> to vector<2048x1xf32>
    %div3A = arith.constant 5.120000e+02 : f32
    %div3A_15 = vector.broadcast %div3A : f32 to vector<2048x1xf32>
    %div3A_16 = arith.divf %broadcast_in_dim3A_14, %div3A_15 : vector<2048x1xf32>
    %sub3A = vector.broadcast %div3A_16 : vector<2048x1xf32> to vector<2048x512xf32>
    %sub3A_17 = arith.subf %add3A_12, %sub3A : vector<2048x512xf32>
    %integer_pow3A = arith.mulf %sub3A_17, %sub3A_17 : vector<2048x512xf32>
    %reduce_sum3A_18 = arith.constant dense<0.000000e+00> : vector<2048xf32>
    %reduce_sum3A_19 = vector.multi_reduction <add>, %integer_pow3A, %reduce_sum3A_18 [1] : vector<2048x512xf32> to vector<2048xf32>
    %broadcast_in_dim3A_20 = vector.shape_cast %reduce_sum3A_19 : vector<2048xf32> to vector<2048x1xf32>
    %div3A_21 = arith.constant 5.120000e+02 : f32
    %div3A_22 = vector.broadcast %div3A_21 : f32 to vector<2048x1xf32>
    %div3A_23 = arith.divf %broadcast_in_dim3A_20, %div3A_22 : vector<2048x1xf32>
    %sub3A_24 = vector.broadcast %div3A_16 : vector<2048x1xf32> to vector<2048x512xf32>
    %sub3A_25 = arith.subf %add3A_12, %sub3A_24 : vector<2048x512xf32>
    %add3A_26 = arith.constant 9.99999974E-6 : f32
    %add3A_27 = vector.broadcast %add3A_26 : f32 to vector<2048x1xf32>
    %add3A_28 = arith.addf %div3A_23, %add3A_27 : vector<2048x1xf32>
    %rsqrt3A = math.rsqrt %add3A_28 : vector<2048x1xf32>
    %mul3A = vector.broadcast %rsqrt3A : vector<2048x1xf32> to vector<2048x512xf32>
    %mul3A_29 = arith.mulf %sub3A_25, %mul3A : vector<2048x512xf32>
    %get3A_30 = arith.constant 0 : index
    %get3A_31 = arith.constant 0 : index
    %get3A_32 = vector.load %arg4[%get3A_30, %get3A_31] : memref<1x512xf32, #tpu.memory_space<vmem>>, vector<1x512xf32>
    %get3A_33 = vector.shape_cast %get3A_32 : vector<1x512xf32> to vector<512xf32>
    %broadcast_in_dim3A_34 = vector.shape_cast %get3A_33 : vector<512xf32> to vector<1x512xf32>
    %mul3A_35 = vector.broadcast %broadcast_in_dim3A_34 : vector<1x512xf32> to vector<2048x512xf32>
    %mul3A_36 = arith.mulf %mul3A_29, %mul3A_35 : vector<2048x512xf32>
    %get3A_37 = arith.constant 0 : index
    %get3A_38 = arith.constant 0 : index
    %get3A_39 = vector.load %arg5[%get3A_37, %get3A_38] : memref<1x512xf32, #tpu.memory_space<vmem>>, vector<1x512xf32>
    %get3A_40 = vector.shape_cast %get3A_39 : vector<1x512xf32> to vector<512xf32>
    %broadcast_in_dim3A_41 = vector.shape_cast %get3A_40 : vector<512xf32> to vector<1x512xf32>
    %add3A_42 = vector.broadcast %broadcast_in_dim3A_41 : vector<1x512xf32> to vector<2048x512xf32>
    %add3A_43 = arith.addf %mul3A_36, %add3A_42 : vector<2048x512xf32>
    %integer_pow3A_44 = arith.mulf %add3A_43, %add3A_43 : vector<2048x512xf32>
    %integer_pow3A_45 = arith.mulf %add3A_43, %integer_pow3A_44 : vector<2048x512xf32>
    %mul3A_46 = arith.constant 4.471500e-02 : f32
    %mul3A_47 = vector.broadcast %mul3A_46 : f32 to vector<2048x512xf32>
    %mul3A_48 = arith.mulf %mul3A_47, %integer_pow3A_45 : vector<2048x512xf32>
    %add3A_49 = arith.addf %add3A_43, %mul3A_48 : vector<2048x512xf32>
    %mul3A_50 = arith.constant 0.797884583 : f32
    %mul3A_51 = vector.broadcast %mul3A_50 : f32 to vector<2048x512xf32>
    %mul3A_52 = arith.mulf %mul3A_51, %add3A_49 : vector<2048x512xf32>
    %tanh3A = math.tanh %mul3A_52 : vector<2048x512xf32>
    %add3A_53 = arith.constant 1.000000e+00 : f32
    %add3A_54 = vector.broadcast %add3A_53 : f32 to vector<2048x512xf32>
    %add3A_55 = arith.addf %add3A_54, %tanh3A : vector<2048x512xf32>
    %mul3A_56 = arith.constant 5.000000e-01 : f32
    %mul3A_57 = vector.broadcast %mul3A_56 : f32 to vector<2048x512xf32>
    %mul3A_58 = arith.mulf %mul3A_57, %add3A_55 : vector<2048x512xf32>
    %mul3A_59 = arith.mulf %add3A_43, %mul3A_58 : vector<2048x512xf32>
    %get3A_60 = arith.constant 0 : index
    %get3A_61 = arith.constant 0 : index
    %get3A_62 = vector.load %arg6[%get3A_60, %get3A_61] : memref<512x8xf32, #tpu.memory_space<vmem>>, vector<512x8xf32>
    %dot_general3A_63 = arith.constant dense<0.000000e+00> : vector<2048x8xf32>
    %dot_general3A_64 = tpu.matmul %mul3A_59, %get3A_62, %dot_general3A_63 {dimension_numbers = #tpu.dot_dimension_numbers<[1], [0], [0], [1], [0, 0, 1, 1], [], []>, transpose_lhs_hint = false} : vector<2048x512xf32>, vector<512x8xf32>, vector<2048x8xf32> -> vector<2048x8xf32>
    %get3A_65 = arith.constant 0 : index
    %get3A_66 = arith.constant 0 : index
    %get3A_67 = vector.load %arg7[%get3A_65, %get3A_66] : memref<1x8xf32, #tpu.memory_space<vmem>>, vector<1x8xf32>
    %get3A_68 = vector.shape_cast %get3A_67 : vector<1x8xf32> to vector<8xf32>
    %broadcast_in_dim3A_69 = vector.shape_cast %get3A_68 : vector<8xf32> to vector<1x8xf32>
    %add3A_70 = vector.broadcast %broadcast_in_dim3A_69 : vector<1x8xf32> to vector<2048x8xf32>
    %add3A_71 = arith.addf %dot_general3A_64, %add3A_70 : vector<2048x8xf32>
    %reduce_max3A = arith.constant dense<0xFF800000> : vector<2048xf32>
    %reduce_max3A_72 = vector.multi_reduction <maximumf>, %add3A_71, %reduce_max3A [1] : vector<2048x8xf32> to vector<2048xf32>
    %max3A = arith.constant 0xFF800000 : f32
    %max3A_73 = vector.broadcast %max3A : f32 to vector<2048xf32>
    %max3A_74 = arith.maximumf %max3A_73, %reduce_max3A_72 : vector<2048xf32>
    %broadcast_in_dim3A_75 = vector.shape_cast %max3A_74 : vector<2048xf32> to vector<2048x1xf32>
    %sub3A_76 = vector.broadcast %broadcast_in_dim3A_75 : vector<2048x1xf32> to vector<2048x8xf32>
    %sub3A_77 = arith.subf %add3A_71, %sub3A_76 : vector<2048x8xf32>
    %exp3A = math.exp %sub3A_77 : vector<2048x8xf32>
    %reduce_sum3A_78 = arith.constant dense<0.000000e+00> : vector<2048xf32>
    %reduce_sum3A_79 = vector.multi_reduction <add>, %exp3A, %reduce_sum3A_78 [1] : vector<2048x8xf32> to vector<2048xf32>
    %broadcast_in_dim3A_80 = vector.shape_cast %reduce_sum3A_79 : vector<2048xf32> to vector<2048x1xf32>
    %div3A_81 = vector.broadcast %broadcast_in_dim3A_80 : vector<2048x1xf32> to vector<2048x8xf32>
    %div3A_82 = arith.divf %exp3A, %div3A_81 : vector<2048x8xf32>
    %swap3A_83 = arith.constant 0 : index
    %swap3A_84 = arith.constant 0 : index
    %swap3A_85 = vector.load %arg8[%swap3A_83, %swap3A_84] : memref<2048x8xf32, #tpu.memory_space<vmem>>, vector<2048x8xf32>
    tpu.vector_store %arg8[%swap3A_83, %swap3A_84], %div3A_82 {strides = array<i32>} : memref<2048x8xf32, #tpu.memory_space<vmem>>, vector<2048x8xf32>,
    %iota3A = tpu.iota {dimensions = array<i32: 1>} : vector<2048x8xi32>
    %reduce_max3A_86 = arith.constant dense<0xFF800000> : vector<2048xf32>
    %reduce_max3A_87 = vector.multi_reduction <maximumf>, %div3A_82, %reduce_max3A_86 [1] : vector<2048x8xf32> to vector<2048xf32>
    %broadcast_in_dim3A_88 = vector.shape_cast %reduce_max3A_87 : vector<2048xf32> to vector<2048x1xf32>
    %eq3A = vector.broadcast %broadcast_in_dim3A_88 : vector<2048x1xf32> to vector<2048x8xf32>
    %eq3A_89 = arith.cmpf oeq, %div3A_82, %eq3A : vector<2048x8xf32>
    %jit3A = arith.constant 8 : i32
    %broadcast_in_dim3A_90 = vector.broadcast %jit3A : i32 to vector<2048x8xi32>
    %select_n3A = arith.select %eq3A_89, %iota3A, %broadcast_in_dim3A_90 : vector<2048x8xi1>, vector<2048x8xi32>
    %reduce_min3A = arith.constant dense<2147483647> : vector<2048xi32>
    %reduce_min3A_91 = vector.multi_reduction <minsi>, %select_n3A, %reduce_min3A [1] : vector<2048x8xi32> to vector<2048xi32>
    %broadcast_in_dim3A_92 = vector.shape_cast %reduce_min3A_91 : vector<2048xi32> to vector<2048x1xi32>
    %eq3A_93 = vector.broadcast %broadcast_in_dim3A_92 : vector<2048x1xi32> to vector<2048x8xi32>
    %eq3A_94 = arith.cmpi eq, %iota3A, %eq3A_93 : vector<2048x8xi32>
    %jit3A_95 = arith.constant -1.000000e+00 : f32
    %broadcast_in_dim3A_96 = vector.broadcast %jit3A_95 : f32 to vector<2048x8xf32>
    %select_n3A_97 = arith.select %eq3A_94, %broadcast_in_dim3A_96, %div3A_82 : vector<2048x8xi1>, vector<2048x8xf32>
    %reduce_max3A_98 = arith.constant dense<0xFF800000> : vector<2048xf32>
    %reduce_max3A_99 = vector.multi_reduction <maximumf>, %select_n3A_97, %reduce_max3A_98 [1] : vector<2048x8xf32> to vector<2048xf32>
    %broadcast_in_dim3A_100 = vector.shape_cast %reduce_max3A_99 : vector<2048xf32> to vector<2048x1xf32>
    %eq3A_101 = vector.broadcast %broadcast_in_dim3A_100 : vector<2048x1xf32> to vector<2048x8xf32>
    %eq3A_102 = arith.cmpf oeq, %select_n3A_97, %eq3A_101 : vector<2048x8xf32>
    %jit3A_103 = arith.constant 8 : i32
    %broadcast_in_dim3A_104 = vector.broadcast %jit3A_103 : i32 to vector<2048x8xi32>
    %select_n3A_105 = arith.select %eq3A_102, %iota3A, %broadcast_in_dim3A_104 : vector<2048x8xi1>, vector<2048x8xi32>
    %reduce_min3A_106 = arith.constant dense<2147483647> : vector<2048xi32>
    %reduce_min3A_107 = vector.multi_reduction <minsi>, %select_n3A_105, %reduce_min3A_106 [1] : vector<2048x8xi32> to vector<2048xi32>
    %broadcast_in_dim3A_108 = vector.shape_cast %reduce_min3A_107 : vector<2048xi32> to vector<2048x1xi32>
    %concatenate3A = tpu.concatenate %broadcast_in_dim3A_92, %broadcast_in_dim3A_108 in 1 : vector<2048x1xi32>, vector<2048x1xi32> -> vector<2048x2xi32>
    %swap3A_109 = arith.constant 0 : index
    %swap3A_110 = arith.constant 0 : index
    %swap3A_111 = vector.load %arg9[%swap3A_109, %swap3A_110] : memref<2048x2xi32, #tpu.memory_space<vmem>>, vector<2048x2xi32>
    tpu.vector_store %arg9[%swap3A_109, %swap3A_110], %concatenate3A {strides = array<i32>} : memref<2048x2xi32, #tpu.memory_space<vmem>>, vector<2048x2xi32>,
    %concatenate3A_112 = tpu.concatenate %broadcast_in_dim3A_88, %broadcast_in_dim3A_100 in 1 : vector<2048x1xf32>, vector<2048x1xf32> -> vector<2048x2xf32>
    %swap3A_113 = arith.constant 0 : index
    %swap3A_114 = arith.constant 0 : index
    %swap3A_115 = vector.load %arg10[%swap3A_113, %swap3A_114] : memref<2048x2xf32, #tpu.memory_space<vmem>>, vector<2048x2xf32>
    tpu.vector_store %arg10[%swap3A_113, %swap3A_114], %concatenate3A_112 {strides = array<i32>} : memref<2048x2xf32, #tpu.memory_space<vmem>>, vector<2048x2xf32>,
    return
  }
  func.func @transform_0(%arg0: i32) -> (i32, i32) {
    %c0_i32 = arith.constant 0 : i32
    %c0_i32_0 = arith.constant 0 : i32
    %c0_i32_1 = arith.constant 0 : i32
    return %c0_i32, %c0_i32_0 : i32, i32
  }
  func.func @transform_1(%arg0: i32) -> (i32, i32) {
    %c0_i32 = arith.constant 0 : i32
    %c0_i32_0 = arith.constant 0 : i32
    %c0_i32_1 = arith.constant 0 : i32
    return %c0_i32, %c0_i32_0 : i32, i32
  }
  func.func @transform_2(%arg0: i32) -> (i32, i32) {
    %c0_i32 = arith.constant 0 : i32
    %c0_i32_0 = arith.constant 0 : i32
    %c0_i32_1 = arith.constant 0 : i32
    return %c0_i32, %c0_i32_0 : i32, i32
  }
  func.func @transform_3(%arg0: i32) -> (i32, i32) {
    %c0_i32 = arith.constant 0 : i32
    %c0_i32_0 = arith.constant 0 : i32
    %c0_i32_1 = arith.constant 0 : i32
    return %c0_i32, %c0_i32_0 : i32, i32
  }
  func.func @transform_4(%arg0: i32) -> (i32, i32) {
    %c0_i32 = arith.constant 0 : i32
    %c0_i32_0 = arith.constant 0 : i32
    %c0_i32_1 = arith.constant 0 : i32
    return %c0_i32, %c0_i32_0 : i32, i32
  }
  func.func @transform_5(%arg0: i32) -> (i32, i32) {
    %c0_i32 = arith.constant 0 : i32
    %c0_i32_0 = arith.constant 0 : i32
    %c0_i32_1 = arith.constant 0 : i32
    return %c0_i32, %c0_i32_0 : i32, i32
  }
  func.func @transform_6(%arg0: i32) -> (i32, i32) {
    %c0_i32 = arith.constant 0 : i32
    %c0_i32_0 = arith.constant 0 : i32
    %c0_i32_1 = arith.constant 0 : i32
    return %c0_i32, %c0_i32_0 : i32, i32
  }
  func.func @transform_7(%arg0: i32) -> (i32, i32) {
    %c0_i32 = arith.constant 0 : i32
    %c0_i32_0 = arith.constant 0 : i32
    %c0_i32_1 = arith.constant 0 : i32
    return %c0_i32, %c0_i32_0 : i32, i32
  }
  func.func @transform_8(%arg0: i32) -> (i32, i32) {
    %c0_i32 = arith.constant 0 : i32
    %c0_i32_0 = arith.constant 0 : i32
    %c0_i32_1 = arith.constant 0 : i32
    return %c0_i32, %c0_i32_0 : i32, i32
  }
  func.func @transform_9(%arg0: i32) -> (i32, i32) {
    %c0_i32 = arith.constant 0 : i32
    %c0_i32_0 = arith.constant 0 : i32
    %c0_i32_1 = arith.constant 0 : i32
    return %c0_i32, %c0_i32_0 : i32, i32
  }
  func.func @transform_10(%arg0: i32) -> (i32, i32) {
    %c0_i32 = arith.constant 0 : i32
    %c0_i32_0 = arith.constant 0 : i32
    %c0_i32_1 = arith.constant 0 : i32
    return %c0_i32, %c0_i32_0 : i32, i32
  }
}

module attributes {stable_mosaic.version = 14 : i64} {
  func.func @_routing_kernel(%arg0: i32, %arg1: memref<4096x1xi32, #tpu.memory_space<vmem>>, %arg2: memref<1x4096xf32, #tpu.memory_space<vmem>>, %arg3: memref<4096x1xi32, #tpu.memory_space<vmem>>, %arg4: memref<1x5120xi32, #tpu.memory_space<vmem>>, %arg5: memref<1x5120xf32, #tpu.memory_space<vmem>>, %arg6: memref<1x64xi32, #tpu.memory_space<vmem>>) attributes {dimension_semantics = [#tpu.dimension_semantics<arbitrary>], iteration_bounds = array<i64: 1>, scalar_prefetch = 0 : i64, scratch_operands = 0 : i64, tpu.core_type = #tpu.core_type<tc>, window_params = [{pipeline_mode = #tpu.pipeline_mode<synchronous>, transform_indices = @transform_0, window_bounds = array<i64: 4096, 1>}, {pipeline_mode = #tpu.pipeline_mode<synchronous>, transform_indices = @transform_1, window_bounds = array<i64: 1, 4096>}, {pipeline_mode = #tpu.pipeline_mode<synchronous>, transform_indices = @transform_2, window_bounds = array<i64: 4096, 1>}, {pipeline_mode = #tpu.pipeline_mode<synchronous>, transform_indices = @transform_3, window_bounds = array<i64: 1, 5120>}, {pipeline_mode = #tpu.pipeline_mode<synchronous>, transform_indices = @transform_4, window_bounds = array<i64: 1, 5120>}, {pipeline_mode = #tpu.pipeline_mode<synchronous>, transform_indices = @transform_5, window_bounds = array<i64: 1, 64>}]} {
    %get3A = arith.constant 0 : index
    %get3A_0 = arith.constant 0 : index
    %get3A_1 = vector.load %arg1[%get3A, %get3A_0] : memref<4096x1xi32, #tpu.memory_space<vmem>>, vector<4096x1xi32>
    %iota3A = tpu.iota {dimensions = array<i32: 1>} : vector<4096x8xi32>
    %eq3A = vector.broadcast %get3A_1 : vector<4096x1xi32> to vector<4096x8xi32>
    %eq3A_2 = arith.cmpi eq, %eq3A, %iota3A : vector<4096x8xi32>
    %convert_element_type3A = arith.extui %eq3A_2 : vector<4096x8xi1> to vector<4096x8xi32>
    %convert_element_type3A_3 = arith.sitofp %convert_element_type3A : vector<4096x8xi32> to vector<4096x8xf32>
    %iota3A_4 = tpu.iota {dimensions = array<i32: 0>} : vector<512x512xi32>
    %iota3A_5 = tpu.iota {dimensions = array<i32: 1>} : vector<512x512xi32>
    %gt3A = arith.cmpi sgt, %iota3A_4, %iota3A_5 : vector<512x512xi32>
    %convert_element_type3A_6 = arith.extui %gt3A : vector<512x512xi1> to vector<512x512xi32>
    %convert_element_type3A_7 = arith.sitofp %convert_element_type3A_6 : vector<512x512xi32> to vector<512x512xf32>
    %broadcast_in_dim3A = arith.constant 0.000000e+00 : f32
    %broadcast_in_dim3A_8 = vector.broadcast %broadcast_in_dim3A : f32 to vector<1x8xf32>
    %slice3A = vector.extract_strided_slice %convert_element_type3A_3 {offsets = [0, 0], sizes = [512, 8], strides = [1, 1]} : vector<4096x8xf32> to vector<512x8xf32>
    %dot_general3A = arith.constant dense<0.000000e+00> : vector<512x8xf32>
    %dot_general3A_9 = tpu.matmul %convert_element_type3A_7, %slice3A, %dot_general3A {dimension_numbers = #tpu.dot_dimension_numbers<[1], [0], [0], [1], [0, 0, 1, 1], [], []>, transpose_lhs_hint = false} : vector<512x512xf32>, vector<512x8xf32>, vector<512x8xf32> -> vector<512x8xf32>
    %add3A = vector.broadcast %broadcast_in_dim3A_8 : vector<1x8xf32> to vector<512x8xf32>
    %add3A_10 = arith.addf %dot_general3A_9, %add3A : vector<512x8xf32>
    %mul3A = arith.mulf %add3A_10, %slice3A : vector<512x8xf32>
    %reduce_sum3A = arith.constant dense<0.000000e+00> : vector<512xf32>
    %reduce_sum3A_11 = vector.multi_reduction <add>, %mul3A, %reduce_sum3A [1] : vector<512x8xf32> to vector<512xf32>
    %broadcast_in_dim3A_12 = vector.shape_cast %reduce_sum3A_11 : vector<512xf32> to vector<512x1xf32>
    %reduce_sum3A_13 = arith.constant dense<0.000000e+00> : vector<8xf32>
    %reduce_sum3A_14 = vector.multi_reduction <add>, %slice3A, %reduce_sum3A_13 [0] : vector<512x8xf32> to vector<8xf32>
    %broadcast_in_dim3A_15 = vector.shape_cast %reduce_sum3A_14 : vector<8xf32> to vector<1x8xf32>
    %add3A_16 = arith.addf %broadcast_in_dim3A_8, %broadcast_in_dim3A_15 : vector<1x8xf32>
    %slice3A_17 = vector.extract_strided_slice %convert_element_type3A_3 {offsets = [512, 0], sizes = [512, 8], strides = [1, 1]} : vector<4096x8xf32> to vector<512x8xf32>
    %dot_general3A_18 = arith.constant dense<0.000000e+00> : vector<512x8xf32>
    %dot_general3A_19 = tpu.matmul %convert_element_type3A_7, %slice3A_17, %dot_general3A_18 {dimension_numbers = #tpu.dot_dimension_numbers<[1], [0], [0], [1], [0, 0, 1, 1], [], []>, transpose_lhs_hint = false} : vector<512x512xf32>, vector<512x8xf32>, vector<512x8xf32> -> vector<512x8xf32>
    %add3A_20 = vector.broadcast %add3A_16 : vector<1x8xf32> to vector<512x8xf32>
    %add3A_21 = arith.addf %dot_general3A_19, %add3A_20 : vector<512x8xf32>
    %mul3A_22 = arith.mulf %add3A_21, %slice3A_17 : vector<512x8xf32>
    %reduce_sum3A_23 = arith.constant dense<0.000000e+00> : vector<512xf32>
    %reduce_sum3A_24 = vector.multi_reduction <add>, %mul3A_22, %reduce_sum3A_23 [1] : vector<512x8xf32> to vector<512xf32>
    %broadcast_in_dim3A_25 = vector.shape_cast %reduce_sum3A_24 : vector<512xf32> to vector<512x1xf32>
    %reduce_sum3A_26 = arith.constant dense<0.000000e+00> : vector<8xf32>
    %reduce_sum3A_27 = vector.multi_reduction <add>, %slice3A_17, %reduce_sum3A_26 [0] : vector<512x8xf32> to vector<8xf32>
    %broadcast_in_dim3A_28 = vector.shape_cast %reduce_sum3A_27 : vector<8xf32> to vector<1x8xf32>
    %add3A_29 = arith.addf %add3A_16, %broadcast_in_dim3A_28 : vector<1x8xf32>
    %slice3A_30 = vector.extract_strided_slice %convert_element_type3A_3 {offsets = [1024, 0], sizes = [512, 8], strides = [1, 1]} : vector<4096x8xf32> to vector<512x8xf32>
    %dot_general3A_31 = arith.constant dense<0.000000e+00> : vector<512x8xf32>
    %dot_general3A_32 = tpu.matmul %convert_element_type3A_7, %slice3A_30, %dot_general3A_31 {dimension_numbers = #tpu.dot_dimension_numbers<[1], [0], [0], [1], [0, 0, 1, 1], [], []>, transpose_lhs_hint = false} : vector<512x512xf32>, vector<512x8xf32>, vector<512x8xf32> -> vector<512x8xf32>
    %add3A_33 = vector.broadcast %add3A_29 : vector<1x8xf32> to vector<512x8xf32>
    %add3A_34 = arith.addf %dot_general3A_32, %add3A_33 : vector<512x8xf32>
    %mul3A_35 = arith.mulf %add3A_34, %slice3A_30 : vector<512x8xf32>
    %reduce_sum3A_36 = arith.constant dense<0.000000e+00> : vector<512xf32>
    %reduce_sum3A_37 = vector.multi_reduction <add>, %mul3A_35, %reduce_sum3A_36 [1] : vector<512x8xf32> to vector<512xf32>
    %broadcast_in_dim3A_38 = vector.shape_cast %reduce_sum3A_37 : vector<512xf32> to vector<512x1xf32>
    %reduce_sum3A_39 = arith.constant dense<0.000000e+00> : vector<8xf32>
    %reduce_sum3A_40 = vector.multi_reduction <add>, %slice3A_30, %reduce_sum3A_39 [0] : vector<512x8xf32> to vector<8xf32>
    %broadcast_in_dim3A_41 = vector.shape_cast %reduce_sum3A_40 : vector<8xf32> to vector<1x8xf32>
    %add3A_42 = arith.addf %add3A_29, %broadcast_in_dim3A_41 : vector<1x8xf32>
    %slice3A_43 = vector.extract_strided_slice %convert_element_type3A_3 {offsets = [1536, 0], sizes = [512, 8], strides = [1, 1]} : vector<4096x8xf32> to vector<512x8xf32>
    %dot_general3A_44 = arith.constant dense<0.000000e+00> : vector<512x8xf32>
    %dot_general3A_45 = tpu.matmul %convert_element_type3A_7, %slice3A_43, %dot_general3A_44 {dimension_numbers = #tpu.dot_dimension_numbers<[1], [0], [0], [1], [0, 0, 1, 1], [], []>, transpose_lhs_hint = false} : vector<512x512xf32>, vector<512x8xf32>, vector<512x8xf32> -> vector<512x8xf32>
    %add3A_46 = vector.broadcast %add3A_42 : vector<1x8xf32> to vector<512x8xf32>
    %add3A_47 = arith.addf %dot_general3A_45, %add3A_46 : vector<512x8xf32>
    %mul3A_48 = arith.mulf %add3A_47, %slice3A_43 : vector<512x8xf32>
    %reduce_sum3A_49 = arith.constant dense<0.000000e+00> : vector<512xf32>
    %reduce_sum3A_50 = vector.multi_reduction <add>, %mul3A_48, %reduce_sum3A_49 [1] : vector<512x8xf32> to vector<512xf32>
    %broadcast_in_dim3A_51 = vector.shape_cast %reduce_sum3A_50 : vector<512xf32> to vector<512x1xf32>
    %reduce_sum3A_52 = arith.constant dense<0.000000e+00> : vector<8xf32>
    %reduce_sum3A_53 = vector.multi_reduction <add>, %slice3A_43, %reduce_sum3A_52 [0] : vector<512x8xf32> to vector<8xf32>
    %broadcast_in_dim3A_54 = vector.shape_cast %reduce_sum3A_53 : vector<8xf32> to vector<1x8xf32>
    %add3A_55 = arith.addf %add3A_42, %broadcast_in_dim3A_54 : vector<1x8xf32>
    %slice3A_56 = vector.extract_strided_slice %convert_element_type3A_3 {offsets = [2048, 0], sizes = [512, 8], strides = [1, 1]} : vector<4096x8xf32> to vector<512x8xf32>
    %dot_general3A_57 = arith.constant dense<0.000000e+00> : vector<512x8xf32>
    %dot_general3A_58 = tpu.matmul %convert_element_type3A_7, %slice3A_56, %dot_general3A_57 {dimension_numbers = #tpu.dot_dimension_numbers<[1], [0], [0], [1], [0, 0, 1, 1], [], []>, transpose_lhs_hint = false} : vector<512x512xf32>, vector<512x8xf32>, vector<512x8xf32> -> vector<512x8xf32>
    %add3A_59 = vector.broadcast %add3A_55 : vector<1x8xf32> to vector<512x8xf32>
    %add3A_60 = arith.addf %dot_general3A_58, %add3A_59 : vector<512x8xf32>
    %mul3A_61 = arith.mulf %add3A_60, %slice3A_56 : vector<512x8xf32>
    %reduce_sum3A_62 = arith.constant dense<0.000000e+00> : vector<512xf32>
    %reduce_sum3A_63 = vector.multi_reduction <add>, %mul3A_61, %reduce_sum3A_62 [1] : vector<512x8xf32> to vector<512xf32>
    %broadcast_in_dim3A_64 = vector.shape_cast %reduce_sum3A_63 : vector<512xf32> to vector<512x1xf32>
    %reduce_sum3A_65 = arith.constant dense<0.000000e+00> : vector<8xf32>
    %reduce_sum3A_66 = vector.multi_reduction <add>, %slice3A_56, %reduce_sum3A_65 [0] : vector<512x8xf32> to vector<8xf32>
    %broadcast_in_dim3A_67 = vector.shape_cast %reduce_sum3A_66 : vector<8xf32> to vector<1x8xf32>
    %add3A_68 = arith.addf %add3A_55, %broadcast_in_dim3A_67 : vector<1x8xf32>
    %slice3A_69 = vector.extract_strided_slice %convert_element_type3A_3 {offsets = [2560, 0], sizes = [512, 8], strides = [1, 1]} : vector<4096x8xf32> to vector<512x8xf32>
    %dot_general3A_70 = arith.constant dense<0.000000e+00> : vector<512x8xf32>
    %dot_general3A_71 = tpu.matmul %convert_element_type3A_7, %slice3A_69, %dot_general3A_70 {dimension_numbers = #tpu.dot_dimension_numbers<[1], [0], [0], [1], [0, 0, 1, 1], [], []>, transpose_lhs_hint = false} : vector<512x512xf32>, vector<512x8xf32>, vector<512x8xf32> -> vector<512x8xf32>
    %add3A_72 = vector.broadcast %add3A_68 : vector<1x8xf32> to vector<512x8xf32>
    %add3A_73 = arith.addf %dot_general3A_71, %add3A_72 : vector<512x8xf32>
    %mul3A_74 = arith.mulf %add3A_73, %slice3A_69 : vector<512x8xf32>
    %reduce_sum3A_75 = arith.constant dense<0.000000e+00> : vector<512xf32>
    %reduce_sum3A_76 = vector.multi_reduction <add>, %mul3A_74, %reduce_sum3A_75 [1] : vector<512x8xf32> to vector<512xf32>
    %broadcast_in_dim3A_77 = vector.shape_cast %reduce_sum3A_76 : vector<512xf32> to vector<512x1xf32>
    %reduce_sum3A_78 = arith.constant dense<0.000000e+00> : vector<8xf32>
    %reduce_sum3A_79 = vector.multi_reduction <add>, %slice3A_69, %reduce_sum3A_78 [0] : vector<512x8xf32> to vector<8xf32>
    %broadcast_in_dim3A_80 = vector.shape_cast %reduce_sum3A_79 : vector<8xf32> to vector<1x8xf32>
    %add3A_81 = arith.addf %add3A_68, %broadcast_in_dim3A_80 : vector<1x8xf32>
    %slice3A_82 = vector.extract_strided_slice %convert_element_type3A_3 {offsets = [3072, 0], sizes = [512, 8], strides = [1, 1]} : vector<4096x8xf32> to vector<512x8xf32>
    %dot_general3A_83 = arith.constant dense<0.000000e+00> : vector<512x8xf32>
    %dot_general3A_84 = tpu.matmul %convert_element_type3A_7, %slice3A_82, %dot_general3A_83 {dimension_numbers = #tpu.dot_dimension_numbers<[1], [0], [0], [1], [0, 0, 1, 1], [], []>, transpose_lhs_hint = false} : vector<512x512xf32>, vector<512x8xf32>, vector<512x8xf32> -> vector<512x8xf32>
    %add3A_85 = vector.broadcast %add3A_81 : vector<1x8xf32> to vector<512x8xf32>
    %add3A_86 = arith.addf %dot_general3A_84, %add3A_85 : vector<512x8xf32>
    %mul3A_87 = arith.mulf %add3A_86, %slice3A_82 : vector<512x8xf32>
    %reduce_sum3A_88 = arith.constant dense<0.000000e+00> : vector<512xf32>
    %reduce_sum3A_89 = vector.multi_reduction <add>, %mul3A_87, %reduce_sum3A_88 [1] : vector<512x8xf32> to vector<512xf32>
    %broadcast_in_dim3A_90 = vector.shape_cast %reduce_sum3A_89 : vector<512xf32> to vector<512x1xf32>
    %reduce_sum3A_91 = arith.constant dense<0.000000e+00> : vector<8xf32>
    %reduce_sum3A_92 = vector.multi_reduction <add>, %slice3A_82, %reduce_sum3A_91 [0] : vector<512x8xf32> to vector<8xf32>
    %broadcast_in_dim3A_93 = vector.shape_cast %reduce_sum3A_92 : vector<8xf32> to vector<1x8xf32>
    %add3A_94 = arith.addf %add3A_81, %broadcast_in_dim3A_93 : vector<1x8xf32>
    %slice3A_95 = vector.extract_strided_slice %convert_element_type3A_3 {offsets = [3584, 0], sizes = [512, 8], strides = [1, 1]} : vector<4096x8xf32> to vector<512x8xf32>
    %dot_general3A_96 = arith.constant dense<0.000000e+00> : vector<512x8xf32>
    %dot_general3A_97 = tpu.matmul %convert_element_type3A_7, %slice3A_95, %dot_general3A_96 {dimension_numbers = #tpu.dot_dimension_numbers<[1], [0], [0], [1], [0, 0, 1, 1], [], []>, transpose_lhs_hint = false} : vector<512x512xf32>, vector<512x8xf32>, vector<512x8xf32> -> vector<512x8xf32>
    %add3A_98 = vector.broadcast %add3A_94 : vector<1x8xf32> to vector<512x8xf32>
    %add3A_99 = arith.addf %dot_general3A_97, %add3A_98 : vector<512x8xf32>
    %mul3A_100 = arith.mulf %add3A_99, %slice3A_95 : vector<512x8xf32>
    %reduce_sum3A_101 = arith.constant dense<0.000000e+00> : vector<512xf32>
    %reduce_sum3A_102 = vector.multi_reduction <add>, %mul3A_100, %reduce_sum3A_101 [1] : vector<512x8xf32> to vector<512xf32>
    %broadcast_in_dim3A_103 = vector.shape_cast %reduce_sum3A_102 : vector<512xf32> to vector<512x1xf32>
    %reduce_sum3A_104 = arith.constant dense<0.000000e+00> : vector<8xf32>
    %reduce_sum3A_105 = vector.multi_reduction <add>, %slice3A_95, %reduce_sum3A_104 [0] : vector<512x8xf32> to vector<8xf32>
    %broadcast_in_dim3A_106 = vector.shape_cast %reduce_sum3A_105 : vector<8xf32> to vector<1x8xf32>
    %add3A_107 = arith.addf %add3A_94, %broadcast_in_dim3A_106 : vector<1x8xf32>
    %concatenate3A = tpu.concatenate %broadcast_in_dim3A_12, %broadcast_in_dim3A_25, %broadcast_in_dim3A_38, %broadcast_in_dim3A_51, %broadcast_in_dim3A_64, %broadcast_in_dim3A_77, %broadcast_in_dim3A_90, %broadcast_in_dim3A_103 in 0 : vector<512x1xf32>, vector<512x1xf32>, vector<512x1xf32>, vector<512x1xf32>, vector<512x1xf32>, vector<512x1xf32>, vector<512x1xf32>, vector<512x1xf32> -> vector<4096x1xf32>
    %convert_element_type3A_108 = arith.fptosi %add3A_107 : vector<1x8xf32> to vector<1x8xi32>
    %add3A_109 = arith.constant 127 : i32
    %add3A_110 = vector.broadcast %add3A_109 : i32 to vector<1x8xi32>
    %add3A_111 = arith.addi %convert_element_type3A_108, %add3A_110 : vector<1x8xi32>
    %shift_right_arithmetic3A = arith.constant 7 : i32
    %shift_right_arithmetic3A_112 = vector.broadcast %shift_right_arithmetic3A : i32 to vector<1x8xi32>
    %shift_right_arithmetic3A_113 = arith.shrsi %add3A_111, %shift_right_arithmetic3A_112 : vector<1x8xi32>
    %shift_left3A = arith.constant 7 : i32
    %shift_left3A_114 = vector.broadcast %shift_left3A : i32 to vector<1x8xi32>
    %shift_left3A_115 = arith.shli %shift_right_arithmetic3A_113, %shift_left3A_114 : vector<1x8xi32>
    %iota3A_116 = tpu.iota {dimensions = array<i32: 0>} : vector<8x8xi32>
    %iota3A_117 = tpu.iota {dimensions = array<i32: 1>} : vector<8x8xi32>
    %lt3A = arith.cmpi slt, %iota3A_116, %iota3A_117 : vector<8x8xi32>
    %convert_element_type3A_118 = arith.extui %lt3A : vector<8x8xi1> to vector<8x8xi32>
    %convert_element_type3A_119 = arith.sitofp %convert_element_type3A_118 : vector<8x8xi32> to vector<8x8xf32>
    %convert_element_type3A_120 = arith.sitofp %shift_left3A_115 : vector<1x8xi32> to vector<1x8xf32>
    %dot_general3A_121 = arith.constant dense<0.000000e+00> : vector<1x8xf32>
    %dot_general3A_122 = tpu.matmul %convert_element_type3A_120, %convert_element_type3A_119, %dot_general3A_121 {dimension_numbers = #tpu.dot_dimension_numbers<[1], [0], [0], [1], [0, 0, 1, 1], [], []>, transpose_lhs_hint = false} : vector<1x8xf32>, vector<8x8xf32>, vector<1x8xf32> -> vector<1x8xf32>
    %mul3A_123 = vector.broadcast %dot_general3A_122 : vector<1x8xf32> to vector<4096x8xf32>
    %mul3A_124 = arith.mulf %convert_element_type3A_3, %mul3A_123 : vector<4096x8xf32>
    %reduce_sum3A_125 = arith.constant dense<0.000000e+00> : vector<4096xf32>
    %reduce_sum3A_126 = vector.multi_reduction <add>, %mul3A_124, %reduce_sum3A_125 [1] : vector<4096x8xf32> to vector<4096xf32>
    %broadcast_in_dim3A_127 = vector.shape_cast %reduce_sum3A_126 : vector<4096xf32> to vector<4096x1xf32>
    %add3A_128 = arith.addf %broadcast_in_dim3A_127, %concatenate3A : vector<4096x1xf32>
    %convert_element_type3A_129 = arith.fptosi %add3A_128 : vector<4096x1xf32> to vector<4096x1xi32>
    %swap3A = arith.constant 0 : index
    %swap3A_130 = arith.constant 0 : index
    %swap3A_131 = vector.load %arg3[%swap3A, %swap3A_130] : memref<4096x1xi32, #tpu.memory_space<vmem>>, vector<4096x1xi32>
    tpu.vector_store %arg3[%swap3A, %swap3A_130], %convert_element_type3A_129 {strides = array<i32>} : memref<4096x1xi32, #tpu.memory_space<vmem>>, vector<4096x1xi32>,
    %iota3A_132 = tpu.iota {dimensions = array<i32: 1>} : vector<1x4096xi32>
    %ge3A = arith.constant 2048 : i32
    %ge3A_133 = vector.broadcast %ge3A : i32 to vector<1x4096xi32>
    %ge3A_134 = arith.cmpi sge, %iota3A_132, %ge3A_133 : vector<1x4096xi32>
    %sub3A = arith.constant 2048 : i32
    %sub3A_135 = vector.broadcast %sub3A : i32 to vector<1x4096xi32>
    %sub3A_136 = arith.subi %iota3A_132, %sub3A_135 : vector<1x4096xi32>
    %select_n3A = arith.select %ge3A_134, %sub3A_136, %iota3A_132 : vector<1x4096xi1>, vector<1x4096xi32>
    %convert_element_type3A_137 = arith.sitofp %select_n3A : vector<1x4096xi32> to vector<1x4096xf32>
    %get3A_138 = arith.constant 0 : index
    %get3A_139 = arith.constant 0 : index
    %get3A_140 = vector.load %arg2[%get3A_138, %get3A_139] : memref<1x4096xf32, #tpu.memory_space<vmem>>, vector<1x4096xf32>
    %iota3A_141 = tpu.iota {dimensions = array<i32: 1>} : vector<1x512xi32>
    %add3A_142 = arith.constant 0 : i32
    %add3A_143 = vector.broadcast %add3A_142 : i32 to vector<1x512xi32>
    %add3A_144 = arith.addi %iota3A_141, %add3A_143 : vector<1x512xi32>
    %eq3A_145 = vector.broadcast %convert_element_type3A_129 : vector<4096x1xi32> to vector<4096x512xi32>
    %eq3A_146 = vector.broadcast %add3A_144 : vector<1x512xi32> to vector<4096x512xi32>
    %eq3A_147 = arith.cmpi eq, %eq3A_145, %eq3A_146 : vector<4096x512xi32>
    %convert_element_type3A_148 = arith.extui %eq3A_147 : vector<4096x512xi1> to vector<4096x512xi32>
    %convert_element_type3A_149 = arith.sitofp %convert_element_type3A_148 : vector<4096x512xi32> to vector<4096x512xf32>
    %dot_general3A_150 = arith.constant dense<0.000000e+00> : vector<1x512xf32>
    %dot_general3A_151 = tpu.matmul %convert_element_type3A_137, %convert_element_type3A_149, %dot_general3A_150 {dimension_numbers = #tpu.dot_dimension_numbers<[1], [0], [0], [1], [0, 0, 1, 1], [], []>, transpose_lhs_hint = false} : vector<1x4096xf32>, vector<4096x512xf32>, vector<1x512xf32> -> vector<1x512xf32>
    %convert_element_type3A_152 = arith.fptosi %dot_general3A_151 : vector<1x512xf32> to vector<1x512xi32>
    %swap3A_153 = arith.constant 0 : index
    %swap3A_154 = arith.constant 0 : index
    %swap3A_155 = vector.load %arg4[%swap3A_153, %swap3A_154] : memref<1x5120xi32, #tpu.memory_space<vmem>>, vector<1x512xi32>
    tpu.vector_store %arg4[%swap3A_153, %swap3A_154], %convert_element_type3A_152 {strides = array<i32>} : memref<1x5120xi32, #tpu.memory_space<vmem>>, vector<1x512xi32>,
    %dot_general3A_156 = arith.constant dense<0.000000e+00> : vector<1x512xf32>
    %dot_general3A_157 = tpu.matmul %get3A_140, %convert_element_type3A_149, %dot_general3A_156 {dimension_numbers = #tpu.dot_dimension_numbers<[1], [0], [0], [1], [0, 0, 1, 1], [], []>, transpose_lhs_hint = false} : vector<1x4096xf32>, vector<4096x512xf32>, vector<1x512xf32> -> vector<1x512xf32>
    %swap3A_158 = arith.constant 0 : index
    %swap3A_159 = arith.constant 0 : index
    %swap3A_160 = vector.load %arg5[%swap3A_158, %swap3A_159] : memref<1x5120xf32, #tpu.memory_space<vmem>>, vector<1x512xf32>
    tpu.vector_store %arg5[%swap3A_158, %swap3A_159], %dot_general3A_157 {strides = array<i32>} : memref<1x5120xf32, #tpu.memory_space<vmem>>, vector<1x512xf32>,
    %iota3A_161 = tpu.iota {dimensions = array<i32: 1>} : vector<1x512xi32>
    %add3A_162 = arith.constant 512 : i32
    %add3A_163 = vector.broadcast %add3A_162 : i32 to vector<1x512xi32>
    %add3A_164 = arith.addi %iota3A_161, %add3A_163 : vector<1x512xi32>
    %eq3A_165 = vector.broadcast %convert_element_type3A_129 : vector<4096x1xi32> to vector<4096x512xi32>
    %eq3A_166 = vector.broadcast %add3A_164 : vector<1x512xi32> to vector<4096x512xi32>
    %eq3A_167 = arith.cmpi eq, %eq3A_165, %eq3A_166 : vector<4096x512xi32>
    %convert_element_type3A_168 = arith.extui %eq3A_167 : vector<4096x512xi1> to vector<4096x512xi32>
    %convert_element_type3A_169 = arith.sitofp %convert_element_type3A_168 : vector<4096x512xi32> to vector<4096x512xf32>
    %dot_general3A_170 = arith.constant dense<0.000000e+00> : vector<1x512xf32>
    %dot_general3A_171 = tpu.matmul %convert_element_type3A_137, %convert_element_type3A_169, %dot_general3A_170 {dimension_numbers = #tpu.dot_dimension_numbers<[1], [0], [0], [1], [0, 0, 1, 1], [], []>, transpose_lhs_hint = false} : vector<1x4096xf32>, vector<4096x512xf32>, vector<1x512xf32> -> vector<1x512xf32>
    %convert_element_type3A_172 = arith.fptosi %dot_general3A_171 : vector<1x512xf32> to vector<1x512xi32>
    %swap3A_173 = arith.constant 0 : index
    %swap3A_174 = arith.constant 512 : index
    %swap3A_175 = vector.load %arg4[%swap3A_173, %swap3A_174] : memref<1x5120xi32, #tpu.memory_space<vmem>>, vector<1x512xi32>
    tpu.vector_store %arg4[%swap3A_173, %swap3A_174], %convert_element_type3A_172 {strides = array<i32>} : memref<1x5120xi32, #tpu.memory_space<vmem>>, vector<1x512xi32>,
    %dot_general3A_176 = arith.constant dense<0.000000e+00> : vector<1x512xf32>
    %dot_general3A_177 = tpu.matmul %get3A_140, %convert_element_type3A_169, %dot_general3A_176 {dimension_numbers = #tpu.dot_dimension_numbers<[1], [0], [0], [1], [0, 0, 1, 1], [], []>, transpose_lhs_hint = false} : vector<1x4096xf32>, vector<4096x512xf32>, vector<1x512xf32> -> vector<1x512xf32>
    %swap3A_178 = arith.constant 0 : index
    %swap3A_179 = arith.constant 512 : index
    %swap3A_180 = vector.load %arg5[%swap3A_178, %swap3A_179] : memref<1x5120xf32, #tpu.memory_space<vmem>>, vector<1x512xf32>
    tpu.vector_store %arg5[%swap3A_178, %swap3A_179], %dot_general3A_177 {strides = array<i32>} : memref<1x5120xf32, #tpu.memory_space<vmem>>, vector<1x512xf32>,
    %iota3A_181 = tpu.iota {dimensions = array<i32: 1>} : vector<1x512xi32>
    %add3A_182 = arith.constant 1024 : i32
    %add3A_183 = vector.broadcast %add3A_182 : i32 to vector<1x512xi32>
    %add3A_184 = arith.addi %iota3A_181, %add3A_183 : vector<1x512xi32>
    %eq3A_185 = vector.broadcast %convert_element_type3A_129 : vector<4096x1xi32> to vector<4096x512xi32>
    %eq3A_186 = vector.broadcast %add3A_184 : vector<1x512xi32> to vector<4096x512xi32>
    %eq3A_187 = arith.cmpi eq, %eq3A_185, %eq3A_186 : vector<4096x512xi32>
    %convert_element_type3A_188 = arith.extui %eq3A_187 : vector<4096x512xi1> to vector<4096x512xi32>
    %convert_element_type3A_189 = arith.sitofp %convert_element_type3A_188 : vector<4096x512xi32> to vector<4096x512xf32>
    %dot_general3A_190 = arith.constant dense<0.000000e+00> : vector<1x512xf32>
    %dot_general3A_191 = tpu.matmul %convert_element_type3A_137, %convert_element_type3A_189, %dot_general3A_190 {dimension_numbers = #tpu.dot_dimension_numbers<[1], [0], [0], [1], [0, 0, 1, 1], [], []>, transpose_lhs_hint = false} : vector<1x4096xf32>, vector<4096x512xf32>, vector<1x512xf32> -> vector<1x512xf32>
    %convert_element_type3A_192 = arith.fptosi %dot_general3A_191 : vector<1x512xf32> to vector<1x512xi32>
    %swap3A_193 = arith.constant 0 : index
    %swap3A_194 = arith.constant 1024 : index
    %swap3A_195 = vector.load %arg4[%swap3A_193, %swap3A_194] : memref<1x5120xi32, #tpu.memory_space<vmem>>, vector<1x512xi32>
    tpu.vector_store %arg4[%swap3A_193, %swap3A_194], %convert_element_type3A_192 {strides = array<i32>} : memref<1x5120xi32, #tpu.memory_space<vmem>>, vector<1x512xi32>,
    %dot_general3A_196 = arith.constant dense<0.000000e+00> : vector<1x512xf32>
    %dot_general3A_197 = tpu.matmul %get3A_140, %convert_element_type3A_189, %dot_general3A_196 {dimension_numbers = #tpu.dot_dimension_numbers<[1], [0], [0], [1], [0, 0, 1, 1], [], []>, transpose_lhs_hint = false} : vector<1x4096xf32>, vector<4096x512xf32>, vector<1x512xf32> -> vector<1x512xf32>
    %swap3A_198 = arith.constant 0 : index
    %swap3A_199 = arith.constant 1024 : index
    %swap3A_200 = vector.load %arg5[%swap3A_198, %swap3A_199] : memref<1x5120xf32, #tpu.memory_space<vmem>>, vector<1x512xf32>
    tpu.vector_store %arg5[%swap3A_198, %swap3A_199], %dot_general3A_197 {strides = array<i32>} : memref<1x5120xf32, #tpu.memory_space<vmem>>, vector<1x512xf32>,
    %iota3A_201 = tpu.iota {dimensions = array<i32: 1>} : vector<1x512xi32>
    %add3A_202 = arith.constant 1536 : i32
    %add3A_203 = vector.broadcast %add3A_202 : i32 to vector<1x512xi32>
    %add3A_204 = arith.addi %iota3A_201, %add3A_203 : vector<1x512xi32>
    %eq3A_205 = vector.broadcast %convert_element_type3A_129 : vector<4096x1xi32> to vector<4096x512xi32>
    %eq3A_206 = vector.broadcast %add3A_204 : vector<1x512xi32> to vector<4096x512xi32>
    %eq3A_207 = arith.cmpi eq, %eq3A_205, %eq3A_206 : vector<4096x512xi32>
    %convert_element_type3A_208 = arith.extui %eq3A_207 : vector<4096x512xi1> to vector<4096x512xi32>
    %convert_element_type3A_209 = arith.sitofp %convert_element_type3A_208 : vector<4096x512xi32> to vector<4096x512xf32>
    %dot_general3A_210 = arith.constant dense<0.000000e+00> : vector<1x512xf32>
    %dot_general3A_211 = tpu.matmul %convert_element_type3A_137, %convert_element_type3A_209, %dot_general3A_210 {dimension_numbers = #tpu.dot_dimension_numbers<[1], [0], [0], [1], [0, 0, 1, 1], [], []>, transpose_lhs_hint = false} : vector<1x4096xf32>, vector<4096x512xf32>, vector<1x512xf32> -> vector<1x512xf32>
    %convert_element_type3A_212 = arith.fptosi %dot_general3A_211 : vector<1x512xf32> to vector<1x512xi32>
    %swap3A_213 = arith.constant 0 : index
    %swap3A_214 = arith.constant 1536 : index
    %swap3A_215 = vector.load %arg4[%swap3A_213, %swap3A_214] : memref<1x5120xi32, #tpu.memory_space<vmem>>, vector<1x512xi32>
    tpu.vector_store %arg4[%swap3A_213, %swap3A_214], %convert_element_type3A_212 {strides = array<i32>} : memref<1x5120xi32, #tpu.memory_space<vmem>>, vector<1x512xi32>,
    %dot_general3A_216 = arith.constant dense<0.000000e+00> : vector<1x512xf32>
    %dot_general3A_217 = tpu.matmul %get3A_140, %convert_element_type3A_209, %dot_general3A_216 {dimension_numbers = #tpu.dot_dimension_numbers<[1], [0], [0], [1], [0, 0, 1, 1], [], []>, transpose_lhs_hint = false} : vector<1x4096xf32>, vector<4096x512xf32>, vector<1x512xf32> -> vector<1x512xf32>
    %swap3A_218 = arith.constant 0 : index
    %swap3A_219 = arith.constant 1536 : index
    %swap3A_220 = vector.load %arg5[%swap3A_218, %swap3A_219] : memref<1x5120xf32, #tpu.memory_space<vmem>>, vector<1x512xf32>
    tpu.vector_store %arg5[%swap3A_218, %swap3A_219], %dot_general3A_217 {strides = array<i32>} : memref<1x5120xf32, #tpu.memory_space<vmem>>, vector<1x512xf32>,
    %iota3A_221 = tpu.iota {dimensions = array<i32: 1>} : vector<1x512xi32>
    %add3A_222 = arith.constant 2048 : i32
    %add3A_223 = vector.broadcast %add3A_222 : i32 to vector<1x512xi32>
    %add3A_224 = arith.addi %iota3A_221, %add3A_223 : vector<1x512xi32>
    %eq3A_225 = vector.broadcast %convert_element_type3A_129 : vector<4096x1xi32> to vector<4096x512xi32>
    %eq3A_226 = vector.broadcast %add3A_224 : vector<1x512xi32> to vector<4096x512xi32>
    %eq3A_227 = arith.cmpi eq, %eq3A_225, %eq3A_226 : vector<4096x512xi32>
    %convert_element_type3A_228 = arith.extui %eq3A_227 : vector<4096x512xi1> to vector<4096x512xi32>
    %convert_element_type3A_229 = arith.sitofp %convert_element_type3A_228 : vector<4096x512xi32> to vector<4096x512xf32>
    %dot_general3A_230 = arith.constant dense<0.000000e+00> : vector<1x512xf32>
    %dot_general3A_231 = tpu.matmul %convert_element_type3A_137, %convert_element_type3A_229, %dot_general3A_230 {dimension_numbers = #tpu.dot_dimension_numbers<[1], [0], [0], [1], [0, 0, 1, 1], [], []>, transpose_lhs_hint = false} : vector<1x4096xf32>, vector<4096x512xf32>, vector<1x512xf32> -> vector<1x512xf32>
    %convert_element_type3A_232 = arith.fptosi %dot_general3A_231 : vector<1x512xf32> to vector<1x512xi32>
    %swap3A_233 = arith.constant 0 : index
    %swap3A_234 = arith.constant 2048 : index
    %swap3A_235 = vector.load %arg4[%swap3A_233, %swap3A_234] : memref<1x5120xi32, #tpu.memory_space<vmem>>, vector<1x512xi32>
    tpu.vector_store %arg4[%swap3A_233, %swap3A_234], %convert_element_type3A_232 {strides = array<i32>} : memref<1x5120xi32, #tpu.memory_space<vmem>>, vector<1x512xi32>,
    %dot_general3A_236 = arith.constant dense<0.000000e+00> : vector<1x512xf32>
    %dot_general3A_237 = tpu.matmul %get3A_140, %convert_element_type3A_229, %dot_general3A_236 {dimension_numbers = #tpu.dot_dimension_numbers<[1], [0], [0], [1], [0, 0, 1, 1], [], []>, transpose_lhs_hint = false} : vector<1x4096xf32>, vector<4096x512xf32>, vector<1x512xf32> -> vector<1x512xf32>
    %swap3A_238 = arith.constant 0 : index
    %swap3A_239 = arith.constant 2048 : index
    %swap3A_240 = vector.load %arg5[%swap3A_238, %swap3A_239] : memref<1x5120xf32, #tpu.memory_space<vmem>>, vector<1x512xf32>
    tpu.vector_store %arg5[%swap3A_238, %swap3A_239], %dot_general3A_237 {strides = array<i32>} : memref<1x5120xf32, #tpu.memory_space<vmem>>, vector<1x512xf32>,
    %iota3A_241 = tpu.iota {dimensions = array<i32: 1>} : vector<1x512xi32>
    %add3A_242 = arith.constant 2560 : i32
    %add3A_243 = vector.broadcast %add3A_242 : i32 to vector<1x512xi32>
    %add3A_244 = arith.addi %iota3A_241, %add3A_243 : vector<1x512xi32>
    %eq3A_245 = vector.broadcast %convert_element_type3A_129 : vector<4096x1xi32> to vector<4096x512xi32>
    %eq3A_246 = vector.broadcast %add3A_244 : vector<1x512xi32> to vector<4096x512xi32>
    %eq3A_247 = arith.cmpi eq, %eq3A_245, %eq3A_246 : vector<4096x512xi32>
    %convert_element_type3A_248 = arith.extui %eq3A_247 : vector<4096x512xi1> to vector<4096x512xi32>
    %convert_element_type3A_249 = arith.sitofp %convert_element_type3A_248 : vector<4096x512xi32> to vector<4096x512xf32>
    %dot_general3A_250 = arith.constant dense<0.000000e+00> : vector<1x512xf32>
    %dot_general3A_251 = tpu.matmul %convert_element_type3A_137, %convert_element_type3A_249, %dot_general3A_250 {dimension_numbers = #tpu.dot_dimension_numbers<[1], [0], [0], [1], [0, 0, 1, 1], [], []>, transpose_lhs_hint = false} : vector<1x4096xf32>, vector<4096x512xf32>, vector<1x512xf32> -> vector<1x512xf32>
    %convert_element_type3A_252 = arith.fptosi %dot_general3A_251 : vector<1x512xf32> to vector<1x512xi32>
    %swap3A_253 = arith.constant 0 : index
    %swap3A_254 = arith.constant 2560 : index
    %swap3A_255 = vector.load %arg4[%swap3A_253, %swap3A_254] : memref<1x5120xi32, #tpu.memory_space<vmem>>, vector<1x512xi32>
    tpu.vector_store %arg4[%swap3A_253, %swap3A_254], %convert_element_type3A_252 {strides = array<i32>} : memref<1x5120xi32, #tpu.memory_space<vmem>>, vector<1x512xi32>,
    %dot_general3A_256 = arith.constant dense<0.000000e+00> : vector<1x512xf32>
    %dot_general3A_257 = tpu.matmul %get3A_140, %convert_element_type3A_249, %dot_general3A_256 {dimension_numbers = #tpu.dot_dimension_numbers<[1], [0], [0], [1], [0, 0, 1, 1], [], []>, transpose_lhs_hint = false} : vector<1x4096xf32>, vector<4096x512xf32>, vector<1x512xf32> -> vector<1x512xf32>
    %swap3A_258 = arith.constant 0 : index
    %swap3A_259 = arith.constant 2560 : index
    %swap3A_260 = vector.load %arg5[%swap3A_258, %swap3A_259] : memref<1x5120xf32, #tpu.memory_space<vmem>>, vector<1x512xf32>
    tpu.vector_store %arg5[%swap3A_258, %swap3A_259], %dot_general3A_257 {strides = array<i32>} : memref<1x5120xf32, #tpu.memory_space<vmem>>, vector<1x512xf32>,
    %iota3A_261 = tpu.iota {dimensions = array<i32: 1>} : vector<1x512xi32>
    %add3A_262 = arith.constant 3072 : i32
    %add3A_263 = vector.broadcast %add3A_262 : i32 to vector<1x512xi32>
    %add3A_264 = arith.addi %iota3A_261, %add3A_263 : vector<1x512xi32>
    %eq3A_265 = vector.broadcast %convert_element_type3A_129 : vector<4096x1xi32> to vector<4096x512xi32>
    %eq3A_266 = vector.broadcast %add3A_264 : vector<1x512xi32> to vector<4096x512xi32>
    %eq3A_267 = arith.cmpi eq, %eq3A_265, %eq3A_266 : vector<4096x512xi32>
    %convert_element_type3A_268 = arith.extui %eq3A_267 : vector<4096x512xi1> to vector<4096x512xi32>
    %convert_element_type3A_269 = arith.sitofp %convert_element_type3A_268 : vector<4096x512xi32> to vector<4096x512xf32>
    %dot_general3A_270 = arith.constant dense<0.000000e+00> : vector<1x512xf32>
    %dot_general3A_271 = tpu.matmul %convert_element_type3A_137, %convert_element_type3A_269, %dot_general3A_270 {dimension_numbers = #tpu.dot_dimension_numbers<[1], [0], [0], [1], [0, 0, 1, 1], [], []>, transpose_lhs_hint = false} : vector<1x4096xf32>, vector<4096x512xf32>, vector<1x512xf32> -> vector<1x512xf32>
    %convert_element_type3A_272 = arith.fptosi %dot_general3A_271 : vector<1x512xf32> to vector<1x512xi32>
    %swap3A_273 = arith.constant 0 : index
    %swap3A_274 = arith.constant 3072 : index
    %swap3A_275 = vector.load %arg4[%swap3A_273, %swap3A_274] : memref<1x5120xi32, #tpu.memory_space<vmem>>, vector<1x512xi32>
    tpu.vector_store %arg4[%swap3A_273, %swap3A_274], %convert_element_type3A_272 {strides = array<i32>} : memref<1x5120xi32, #tpu.memory_space<vmem>>, vector<1x512xi32>,
    %dot_general3A_276 = arith.constant dense<0.000000e+00> : vector<1x512xf32>
    %dot_general3A_277 = tpu.matmul %get3A_140, %convert_element_type3A_269, %dot_general3A_276 {dimension_numbers = #tpu.dot_dimension_numbers<[1], [0], [0], [1], [0, 0, 1, 1], [], []>, transpose_lhs_hint = false} : vector<1x4096xf32>, vector<4096x512xf32>, vector<1x512xf32> -> vector<1x512xf32>
    %swap3A_278 = arith.constant 0 : index
    %swap3A_279 = arith.constant 3072 : index
    %swap3A_280 = vector.load %arg5[%swap3A_278, %swap3A_279] : memref<1x5120xf32, #tpu.memory_space<vmem>>, vector<1x512xf32>
    tpu.vector_store %arg5[%swap3A_278, %swap3A_279], %dot_general3A_277 {strides = array<i32>} : memref<1x5120xf32, #tpu.memory_space<vmem>>, vector<1x512xf32>,
    %iota3A_281 = tpu.iota {dimensions = array<i32: 1>} : vector<1x512xi32>
    %add3A_282 = arith.constant 3584 : i32
    %add3A_283 = vector.broadcast %add3A_282 : i32 to vector<1x512xi32>
    %add3A_284 = arith.addi %iota3A_281, %add3A_283 : vector<1x512xi32>
    %eq3A_285 = vector.broadcast %convert_element_type3A_129 : vector<4096x1xi32> to vector<4096x512xi32>
    %eq3A_286 = vector.broadcast %add3A_284 : vector<1x512xi32> to vector<4096x512xi32>
    %eq3A_287 = arith.cmpi eq, %eq3A_285, %eq3A_286 : vector<4096x512xi32>
    %convert_element_type3A_288 = arith.extui %eq3A_287 : vector<4096x512xi1> to vector<4096x512xi32>
    %convert_element_type3A_289 = arith.sitofp %convert_element_type3A_288 : vector<4096x512xi32> to vector<4096x512xf32>
    %dot_general3A_290 = arith.constant dense<0.000000e+00> : vector<1x512xf32>
    %dot_general3A_291 = tpu.matmul %convert_element_type3A_137, %convert_element_type3A_289, %dot_general3A_290 {dimension_numbers = #tpu.dot_dimension_numbers<[1], [0], [0], [1], [0, 0, 1, 1], [], []>, transpose_lhs_hint = false} : vector<1x4096xf32>, vector<4096x512xf32>, vector<1x512xf32> -> vector<1x512xf32>
    %convert_element_type3A_292 = arith.fptosi %dot_general3A_291 : vector<1x512xf32> to vector<1x512xi32>
    %swap3A_293 = arith.constant 0 : index
    %swap3A_294 = arith.constant 3584 : index
    %swap3A_295 = vector.load %arg4[%swap3A_293, %swap3A_294] : memref<1x5120xi32, #tpu.memory_space<vmem>>, vector<1x512xi32>
    tpu.vector_store %arg4[%swap3A_293, %swap3A_294], %convert_element_type3A_292 {strides = array<i32>} : memref<1x5120xi32, #tpu.memory_space<vmem>>, vector<1x512xi32>,
    %dot_general3A_296 = arith.constant dense<0.000000e+00> : vector<1x512xf32>
    %dot_general3A_297 = tpu.matmul %get3A_140, %convert_element_type3A_289, %dot_general3A_296 {dimension_numbers = #tpu.dot_dimension_numbers<[1], [0], [0], [1], [0, 0, 1, 1], [], []>, transpose_lhs_hint = false} : vector<1x4096xf32>, vector<4096x512xf32>, vector<1x512xf32> -> vector<1x512xf32>
    %swap3A_298 = arith.constant 0 : index
    %swap3A_299 = arith.constant 3584 : index
    %swap3A_300 = vector.load %arg5[%swap3A_298, %swap3A_299] : memref<1x5120xf32, #tpu.memory_space<vmem>>, vector<1x512xf32>
    tpu.vector_store %arg5[%swap3A_298, %swap3A_299], %dot_general3A_297 {strides = array<i32>} : memref<1x5120xf32, #tpu.memory_space<vmem>>, vector<1x512xf32>,
    %iota3A_301 = tpu.iota {dimensions = array<i32: 1>} : vector<1x512xi32>
    %add3A_302 = arith.constant 4096 : i32
    %add3A_303 = vector.broadcast %add3A_302 : i32 to vector<1x512xi32>
    %add3A_304 = arith.addi %iota3A_301, %add3A_303 : vector<1x512xi32>
    %eq3A_305 = vector.broadcast %convert_element_type3A_129 : vector<4096x1xi32> to vector<4096x512xi32>
    %eq3A_306 = vector.broadcast %add3A_304 : vector<1x512xi32> to vector<4096x512xi32>
    %eq3A_307 = arith.cmpi eq, %eq3A_305, %eq3A_306 : vector<4096x512xi32>
    %convert_element_type3A_308 = arith.extui %eq3A_307 : vector<4096x512xi1> to vector<4096x512xi32>
    %convert_element_type3A_309 = arith.sitofp %convert_element_type3A_308 : vector<4096x512xi32> to vector<4096x512xf32>
    %dot_general3A_310 = arith.constant dense<0.000000e+00> : vector<1x512xf32>
    %dot_general3A_311 = tpu.matmul %convert_element_type3A_137, %convert_element_type3A_309, %dot_general3A_310 {dimension_numbers = #tpu.dot_dimension_numbers<[1], [0], [0], [1], [0, 0, 1, 1], [], []>, transpose_lhs_hint = false} : vector<1x4096xf32>, vector<4096x512xf32>, vector<1x512xf32> -> vector<1x512xf32>
    %convert_element_type3A_312 = arith.fptosi %dot_general3A_311 : vector<1x512xf32> to vector<1x512xi32>
    %swap3A_313 = arith.constant 0 : index
    %swap3A_314 = arith.constant 4096 : index
    %swap3A_315 = vector.load %arg4[%swap3A_313, %swap3A_314] : memref<1x5120xi32, #tpu.memory_space<vmem>>, vector<1x512xi32>
    tpu.vector_store %arg4[%swap3A_313, %swap3A_314], %convert_element_type3A_312 {strides = array<i32>} : memref<1x5120xi32, #tpu.memory_space<vmem>>, vector<1x512xi32>,
    %dot_general3A_316 = arith.constant dense<0.000000e+00> : vector<1x512xf32>
    %dot_general3A_317 = tpu.matmul %get3A_140, %convert_element_type3A_309, %dot_general3A_316 {dimension_numbers = #tpu.dot_dimension_numbers<[1], [0], [0], [1], [0, 0, 1, 1], [], []>, transpose_lhs_hint = false} : vector<1x4096xf32>, vector<4096x512xf32>, vector<1x512xf32> -> vector<1x512xf32>
    %swap3A_318 = arith.constant 0 : index
    %swap3A_319 = arith.constant 4096 : index
    %swap3A_320 = vector.load %arg5[%swap3A_318, %swap3A_319] : memref<1x5120xf32, #tpu.memory_space<vmem>>, vector<1x512xf32>
    tpu.vector_store %arg5[%swap3A_318, %swap3A_319], %dot_general3A_317 {strides = array<i32>} : memref<1x5120xf32, #tpu.memory_space<vmem>>, vector<1x512xf32>,
    %iota3A_321 = tpu.iota {dimensions = array<i32: 1>} : vector<1x512xi32>
    %add3A_322 = arith.constant 4608 : i32
    %add3A_323 = vector.broadcast %add3A_322 : i32 to vector<1x512xi32>
    %add3A_324 = arith.addi %iota3A_321, %add3A_323 : vector<1x512xi32>
    %eq3A_325 = vector.broadcast %convert_element_type3A_129 : vector<4096x1xi32> to vector<4096x512xi32>
    %eq3A_326 = vector.broadcast %add3A_324 : vector<1x512xi32> to vector<4096x512xi32>
    %eq3A_327 = arith.cmpi eq, %eq3A_325, %eq3A_326 : vector<4096x512xi32>
    %convert_element_type3A_328 = arith.extui %eq3A_327 : vector<4096x512xi1> to vector<4096x512xi32>
    %convert_element_type3A_329 = arith.sitofp %convert_element_type3A_328 : vector<4096x512xi32> to vector<4096x512xf32>
    %dot_general3A_330 = arith.constant dense<0.000000e+00> : vector<1x512xf32>
    %dot_general3A_331 = tpu.matmul %convert_element_type3A_137, %convert_element_type3A_329, %dot_general3A_330 {dimension_numbers = #tpu.dot_dimension_numbers<[1], [0], [0], [1], [0, 0, 1, 1], [], []>, transpose_lhs_hint = false} : vector<1x4096xf32>, vector<4096x512xf32>, vector<1x512xf32> -> vector<1x512xf32>
    %convert_element_type3A_332 = arith.fptosi %dot_general3A_331 : vector<1x512xf32> to vector<1x512xi32>
    %swap3A_333 = arith.constant 0 : index
    %swap3A_334 = arith.constant 4608 : index
    %swap3A_335 = vector.load %arg4[%swap3A_333, %swap3A_334] : memref<1x5120xi32, #tpu.memory_space<vmem>>, vector<1x512xi32>
    tpu.vector_store %arg4[%swap3A_333, %swap3A_334], %convert_element_type3A_332 {strides = array<i32>} : memref<1x5120xi32, #tpu.memory_space<vmem>>, vector<1x512xi32>,
    %dot_general3A_336 = arith.constant dense<0.000000e+00> : vector<1x512xf32>
    %dot_general3A_337 = tpu.matmul %get3A_140, %convert_element_type3A_329, %dot_general3A_336 {dimension_numbers = #tpu.dot_dimension_numbers<[1], [0], [0], [1], [0, 0, 1, 1], [], []>, transpose_lhs_hint = false} : vector<1x4096xf32>, vector<4096x512xf32>, vector<1x512xf32> -> vector<1x512xf32>
    %swap3A_338 = arith.constant 0 : index
    %swap3A_339 = arith.constant 4608 : index
    %swap3A_340 = vector.load %arg5[%swap3A_338, %swap3A_339] : memref<1x5120xf32, #tpu.memory_space<vmem>>, vector<1x512xf32>
    tpu.vector_store %arg5[%swap3A_338, %swap3A_339], %dot_general3A_337 {strides = array<i32>} : memref<1x5120xf32, #tpu.memory_space<vmem>>, vector<1x512xf32>,
    %iota3A_341 = tpu.iota {dimensions = array<i32: 1>} : vector<1x64xi32>
    %mul3A_342 = arith.constant 128 : i32
    %mul3A_343 = vector.broadcast %mul3A_342 : i32 to vector<1x64xi32>
    %mul3A_344 = arith.muli %iota3A_341, %mul3A_343 : vector<1x64xi32>
    %broadcast_in_dim3A_345 = arith.constant 0 : i32
    %broadcast_in_dim3A_346 = vector.broadcast %broadcast_in_dim3A_345 : i32 to vector<1x64xi32>
    %slice3A_347 = vector.extract_strided_slice %dot_general3A_122 {offsets = [0, 0], sizes = [1, 1], strides = [1, 1]} : vector<1x8xf32> to vector<1x1xf32>
    %squeeze3A = vector.extract %slice3A_347[0, 0] : f32 from vector<1x1xf32>
    %convert_element_type3A_348 = arith.fptosi %squeeze3A : f32 to i32
    %ge3A_349 = vector.broadcast %convert_element_type3A_348 : i32 to vector<1x64xi32>
    %ge3A_350 = arith.cmpi sge, %mul3A_344, %ge3A_349 : vector<1x64xi32>
    %slice3A_351 = vector.extract_strided_slice %shift_left3A_115 {offsets = [0, 0], sizes = [1, 1], strides = [1, 1]} : vector<1x8xi32> to vector<1x1xi32>
    %squeeze3A_352 = vector.extract %slice3A_351[0, 0] : i32 from vector<1x1xi32>
    %add3A_353 = arith.addi %convert_element_type3A_348, %squeeze3A_352 : i32
    %lt3A_354 = vector.broadcast %add3A_353 : i32 to vector<1x64xi32>
    %lt3A_355 = arith.cmpi slt, %mul3A_344, %lt3A_354 : vector<1x64xi32>
    %and3A = arith.andi %ge3A_350, %lt3A_355 : vector<1x64xi1>
    %jit3A = arith.constant 0 : i32
    %broadcast_in_dim3A_356 = vector.broadcast %jit3A : i32 to vector<1x64xi32>
    %select_n3A_357 = arith.select %and3A, %broadcast_in_dim3A_356, %broadcast_in_dim3A_346 : vector<1x64xi1>, vector<1x64xi32>
    %slice3A_358 = vector.extract_strided_slice %dot_general3A_122 {offsets = [0, 1], sizes = [1, 1], strides = [1, 1]} : vector<1x8xf32> to vector<1x1xf32>
    %squeeze3A_359 = vector.extract %slice3A_358[0, 0] : f32 from vector<1x1xf32>
    %convert_element_type3A_360 = arith.fptosi %squeeze3A_359 : f32 to i32
    %ge3A_361 = vector.broadcast %convert_element_type3A_360 : i32 to vector<1x64xi32>
    %ge3A_362 = arith.cmpi sge, %mul3A_344, %ge3A_361 : vector<1x64xi32>
    %slice3A_363 = vector.extract_strided_slice %shift_left3A_115 {offsets = [0, 1], sizes = [1, 1], strides = [1, 1]} : vector<1x8xi32> to vector<1x1xi32>
    %squeeze3A_364 = vector.extract %slice3A_363[0, 0] : i32 from vector<1x1xi32>
    %add3A_365 = arith.addi %convert_element_type3A_360, %squeeze3A_364 : i32
    %lt3A_366 = vector.broadcast %add3A_365 : i32 to vector<1x64xi32>
    %lt3A_367 = arith.cmpi slt, %mul3A_344, %lt3A_366 : vector<1x64xi32>
    %and3A_368 = arith.andi %ge3A_362, %lt3A_367 : vector<1x64xi1>
    %jit3A_369 = arith.constant 1 : i32
    %broadcast_in_dim3A_370 = vector.broadcast %jit3A_369 : i32 to vector<1x64xi32>
    %select_n3A_371 = arith.select %and3A_368, %broadcast_in_dim3A_370, %select_n3A_357 : vector<1x64xi1>, vector<1x64xi32>
    %slice3A_372 = vector.extract_strided_slice %dot_general3A_122 {offsets = [0, 2], sizes = [1, 1], strides = [1, 1]} : vector<1x8xf32> to vector<1x1xf32>
    %squeeze3A_373 = vector.extract %slice3A_372[0, 0] : f32 from vector<1x1xf32>
    %convert_element_type3A_374 = arith.fptosi %squeeze3A_373 : f32 to i32
    %ge3A_375 = vector.broadcast %convert_element_type3A_374 : i32 to vector<1x64xi32>
    %ge3A_376 = arith.cmpi sge, %mul3A_344, %ge3A_375 : vector<1x64xi32>
    %slice3A_377 = vector.extract_strided_slice %shift_left3A_115 {offsets = [0, 2], sizes = [1, 1], strides = [1, 1]} : vector<1x8xi32> to vector<1x1xi32>
    %squeeze3A_378 = vector.extract %slice3A_377[0, 0] : i32 from vector<1x1xi32>
    %add3A_379 = arith.addi %convert_element_type3A_374, %squeeze3A_378 : i32
    %lt3A_380 = vector.broadcast %add3A_379 : i32 to vector<1x64xi32>
    %lt3A_381 = arith.cmpi slt, %mul3A_344, %lt3A_380 : vector<1x64xi32>
    %and3A_382 = arith.andi %ge3A_376, %lt3A_381 : vector<1x64xi1>
    %jit3A_383 = arith.constant 2 : i32
    %broadcast_in_dim3A_384 = vector.broadcast %jit3A_383 : i32 to vector<1x64xi32>
    %select_n3A_385 = arith.select %and3A_382, %broadcast_in_dim3A_384, %select_n3A_371 : vector<1x64xi1>, vector<1x64xi32>
    %slice3A_386 = vector.extract_strided_slice %dot_general3A_122 {offsets = [0, 3], sizes = [1, 1], strides = [1, 1]} : vector<1x8xf32> to vector<1x1xf32>
    %squeeze3A_387 = vector.extract %slice3A_386[0, 0] : f32 from vector<1x1xf32>
    %convert_element_type3A_388 = arith.fptosi %squeeze3A_387 : f32 to i32
    %ge3A_389 = vector.broadcast %convert_element_type3A_388 : i32 to vector<1x64xi32>
    %ge3A_390 = arith.cmpi sge, %mul3A_344, %ge3A_389 : vector<1x64xi32>
    %slice3A_391 = vector.extract_strided_slice %shift_left3A_115 {offsets = [0, 3], sizes = [1, 1], strides = [1, 1]} : vector<1x8xi32> to vector<1x1xi32>
    %squeeze3A_392 = vector.extract %slice3A_391[0, 0] : i32 from vector<1x1xi32>
    %add3A_393 = arith.addi %convert_element_type3A_388, %squeeze3A_392 : i32
    %lt3A_394 = vector.broadcast %add3A_393 : i32 to vector<1x64xi32>
    %lt3A_395 = arith.cmpi slt, %mul3A_344, %lt3A_394 : vector<1x64xi32>
    %and3A_396 = arith.andi %ge3A_390, %lt3A_395 : vector<1x64xi1>
    %jit3A_397 = arith.constant 3 : i32
    %broadcast_in_dim3A_398 = vector.broadcast %jit3A_397 : i32 to vector<1x64xi32>
    %select_n3A_399 = arith.select %and3A_396, %broadcast_in_dim3A_398, %select_n3A_385 : vector<1x64xi1>, vector<1x64xi32>
    %slice3A_400 = vector.extract_strided_slice %dot_general3A_122 {offsets = [0, 4], sizes = [1, 1], strides = [1, 1]} : vector<1x8xf32> to vector<1x1xf32>
    %squeeze3A_401 = vector.extract %slice3A_400[0, 0] : f32 from vector<1x1xf32>
    %convert_element_type3A_402 = arith.fptosi %squeeze3A_401 : f32 to i32
    %ge3A_403 = vector.broadcast %convert_element_type3A_402 : i32 to vector<1x64xi32>
    %ge3A_404 = arith.cmpi sge, %mul3A_344, %ge3A_403 : vector<1x64xi32>
    %slice3A_405 = vector.extract_strided_slice %shift_left3A_115 {offsets = [0, 4], sizes = [1, 1], strides = [1, 1]} : vector<1x8xi32> to vector<1x1xi32>
    %squeeze3A_406 = vector.extract %slice3A_405[0, 0] : i32 from vector<1x1xi32>
    %add3A_407 = arith.addi %convert_element_type3A_402, %squeeze3A_406 : i32
    %lt3A_408 = vector.broadcast %add3A_407 : i32 to vector<1x64xi32>
    %lt3A_409 = arith.cmpi slt, %mul3A_344, %lt3A_408 : vector<1x64xi32>
    %and3A_410 = arith.andi %ge3A_404, %lt3A_409 : vector<1x64xi1>
    %jit3A_411 = arith.constant 4 : i32
    %broadcast_in_dim3A_412 = vector.broadcast %jit3A_411 : i32 to vector<1x64xi32>
    %select_n3A_413 = arith.select %and3A_410, %broadcast_in_dim3A_412, %select_n3A_399 : vector<1x64xi1>, vector<1x64xi32>
    %slice3A_414 = vector.extract_strided_slice %dot_general3A_122 {offsets = [0, 5], sizes = [1, 1], strides = [1, 1]} : vector<1x8xf32> to vector<1x1xf32>
    %squeeze3A_415 = vector.extract %slice3A_414[0, 0] : f32 from vector<1x1xf32>
    %convert_element_type3A_416 = arith.fptosi %squeeze3A_415 : f32 to i32
    %ge3A_417 = vector.broadcast %convert_element_type3A_416 : i32 to vector<1x64xi32>
    %ge3A_418 = arith.cmpi sge, %mul3A_344, %ge3A_417 : vector<1x64xi32>
    %slice3A_419 = vector.extract_strided_slice %shift_left3A_115 {offsets = [0, 5], sizes = [1, 1], strides = [1, 1]} : vector<1x8xi32> to vector<1x1xi32>
    %squeeze3A_420 = vector.extract %slice3A_419[0, 0] : i32 from vector<1x1xi32>
    %add3A_421 = arith.addi %convert_element_type3A_416, %squeeze3A_420 : i32
    %lt3A_422 = vector.broadcast %add3A_421 : i32 to vector<1x64xi32>
    %lt3A_423 = arith.cmpi slt, %mul3A_344, %lt3A_422 : vector<1x64xi32>
    %and3A_424 = arith.andi %ge3A_418, %lt3A_423 : vector<1x64xi1>
    %jit3A_425 = arith.constant 5 : i32
    %broadcast_in_dim3A_426 = vector.broadcast %jit3A_425 : i32 to vector<1x64xi32>
    %select_n3A_427 = arith.select %and3A_424, %broadcast_in_dim3A_426, %select_n3A_413 : vector<1x64xi1>, vector<1x64xi32>
    %slice3A_428 = vector.extract_strided_slice %dot_general3A_122 {offsets = [0, 6], sizes = [1, 1], strides = [1, 1]} : vector<1x8xf32> to vector<1x1xf32>
    %squeeze3A_429 = vector.extract %slice3A_428[0, 0] : f32 from vector<1x1xf32>
    %convert_element_type3A_430 = arith.fptosi %squeeze3A_429 : f32 to i32
    %ge3A_431 = vector.broadcast %convert_element_type3A_430 : i32 to vector<1x64xi32>
    %ge3A_432 = arith.cmpi sge, %mul3A_344, %ge3A_431 : vector<1x64xi32>
    %slice3A_433 = vector.extract_strided_slice %shift_left3A_115 {offsets = [0, 6], sizes = [1, 1], strides = [1, 1]} : vector<1x8xi32> to vector<1x1xi32>
    %squeeze3A_434 = vector.extract %slice3A_433[0, 0] : i32 from vector<1x1xi32>
    %add3A_435 = arith.addi %convert_element_type3A_430, %squeeze3A_434 : i32
    %lt3A_436 = vector.broadcast %add3A_435 : i32 to vector<1x64xi32>
    %lt3A_437 = arith.cmpi slt, %mul3A_344, %lt3A_436 : vector<1x64xi32>
    %and3A_438 = arith.andi %ge3A_432, %lt3A_437 : vector<1x64xi1>
    %jit3A_439 = arith.constant 6 : i32
    %broadcast_in_dim3A_440 = vector.broadcast %jit3A_439 : i32 to vector<1x64xi32>
    %select_n3A_441 = arith.select %and3A_438, %broadcast_in_dim3A_440, %select_n3A_427 : vector<1x64xi1>, vector<1x64xi32>
    %slice3A_442 = vector.extract_strided_slice %dot_general3A_122 {offsets = [0, 7], sizes = [1, 1], strides = [1, 1]} : vector<1x8xf32> to vector<1x1xf32>
    %squeeze3A_443 = vector.extract %slice3A_442[0, 0] : f32 from vector<1x1xf32>
    %convert_element_type3A_444 = arith.fptosi %squeeze3A_443 : f32 to i32
    %ge3A_445 = vector.broadcast %convert_element_type3A_444 : i32 to vector<1x64xi32>
    %ge3A_446 = arith.cmpi sge, %mul3A_344, %ge3A_445 : vector<1x64xi32>
    %slice3A_447 = vector.extract_strided_slice %shift_left3A_115 {offsets = [0, 7], sizes = [1, 1], strides = [1, 1]} : vector<1x8xi32> to vector<1x1xi32>
    %squeeze3A_448 = vector.extract %slice3A_447[0, 0] : i32 from vector<1x1xi32>
    %add3A_449 = arith.addi %convert_element_type3A_444, %squeeze3A_448 : i32
    %lt3A_450 = vector.broadcast %add3A_449 : i32 to vector<1x64xi32>
    %lt3A_451 = arith.cmpi slt, %mul3A_344, %lt3A_450 : vector<1x64xi32>
    %and3A_452 = arith.andi %ge3A_446, %lt3A_451 : vector<1x64xi1>
    %jit3A_453 = arith.constant 7 : i32
    %broadcast_in_dim3A_454 = vector.broadcast %jit3A_453 : i32 to vector<1x64xi32>
    %select_n3A_455 = arith.select %and3A_452, %broadcast_in_dim3A_454, %select_n3A_441 : vector<1x64xi1>, vector<1x64xi32>
    %swap3A_456 = arith.constant 0 : index
    %swap3A_457 = arith.constant 0 : index
    %swap3A_458 = vector.load %arg6[%swap3A_456, %swap3A_457] : memref<1x64xi32, #tpu.memory_space<vmem>>, vector<1x64xi32>
    tpu.vector_store %arg6[%swap3A_456, %swap3A_457], %select_n3A_455 {strides = array<i32>} : memref<1x64xi32, #tpu.memory_space<vmem>>, vector<1x64xi32>,
    return
  }
  func.func @transform_0(%arg0: i32) -> (i32, i32) {
    %c0_i32 = arith.constant 0 : i32
    %c0_i32_0 = arith.constant 0 : i32
    %c0_i32_1 = arith.constant 0 : i32
    return %c0_i32, %c0_i32_0 : i32, i32
  }
  func.func @transform_1(%arg0: i32) -> (i32, i32) {
    %c0_i32 = arith.constant 0 : i32
    %c0_i32_0 = arith.constant 0 : i32
    %c0_i32_1 = arith.constant 0 : i32
    return %c0_i32, %c0_i32_0 : i32, i32
  }
  func.func @transform_2(%arg0: i32) -> (i32, i32) {
    %c0_i32 = arith.constant 0 : i32
    %c0_i32_0 = arith.constant 0 : i32
    %c0_i32_1 = arith.constant 0 : i32
    return %c0_i32, %c0_i32_0 : i32, i32
  }
  func.func @transform_3(%arg0: i32) -> (i32, i32) {
    %c0_i32 = arith.constant 0 : i32
    %c0_i32_0 = arith.constant 0 : i32
    %c0_i32_1 = arith.constant 0 : i32
    return %c0_i32, %c0_i32_0 : i32, i32
  }
  func.func @transform_4(%arg0: i32) -> (i32, i32) {
    %c0_i32 = arith.constant 0 : i32
    %c0_i32_0 = arith.constant 0 : i32
    %c0_i32_1 = arith.constant 0 : i32
    return %c0_i32, %c0_i32_0 : i32, i32
  }
  func.func @transform_5(%arg0: i32) -> (i32, i32) {
    %c0_i32 = arith.constant 0 : i32
    %c0_i32_0 = arith.constant 0 : i32
    %c0_i32_1 = arith.constant 0 : i32
    return %c0_i32, %c0_i32_0 : i32, i32
  }
}

module attributes {stable_mosaic.version = 14 : i64} {
  func.func @_matmul_kernel(%arg0: i32, %arg1: memref<40xi32, #tpu.memory_space<smem>>, %arg2: memref<128x1024xbf16, #tpu.memory_space<vmem>>, %arg3: memref<1x1024x1024xf32, #tpu.memory_space<vmem>>, %arg4: memref<1x1x1024xf32, #tpu.memory_space<vmem>>, %arg5: memref<1x128x1xf32, #tpu.memory_space<vmem>>, %arg6: memref<128x1024xbf16, #tpu.memory_space<vmem>>) attributes {dimension_semantics = [#tpu.dimension_semantics<arbitrary>], iteration_bounds = array<i64: 40>, scalar_prefetch = 1 : i64, scratch_operands = 0 : i64, tpu.core_type = #tpu.core_type<tc>, window_params = [{transform_indices = @transform_0, window_bounds = array<i64: 128, 1024>}, {transform_indices = @transform_1, window_bounds = array<i64: 1, 1024, 1024>}, {transform_indices = @transform_2, window_bounds = array<i64: 1, 1, 1024>}, {transform_indices = @transform_3, window_bounds = array<i64: 1, 128, 1>}, {transform_indices = @transform_4, window_bounds = array<i64: 128, 1024>}]} {
    %get3A = arith.constant 0 : index
    %get3A_0 = arith.constant 0 : index
    %get3A_1 = vector.load %arg2[%get3A, %get3A_0] : memref<128x1024xbf16, #tpu.memory_space<vmem>>, vector<128x1024xbf16>
    %convert_element_type3A = arith.extf %get3A_1 : vector<128x1024xbf16> to vector<128x1024xf32>
    %get3A_2 = arith.constant 0 : index
    %get3A_3 = arith.constant 0 : index
    %get3A_4 = arith.constant 0 : index
    %get3A_5 = vector.load %arg3[%get3A_2, %get3A_3, %get3A_4] : memref<1x1024x1024xf32, #tpu.memory_space<vmem>>, vector<1x1024x1024xf32>
    %get3A_6 = vector.shape_cast %get3A_5 : vector<1x1024x1024xf32> to vector<1024x1024xf32>
    %dot_general3A = arith.constant dense<0.000000e+00> : vector<128x1024xf32>
    %dot_general3A_7 = tpu.matmul %convert_element_type3A, %get3A_6, %dot_general3A {dimension_numbers = #tpu.dot_dimension_numbers<[1], [0], [0], [1], [0, 0, 1, 1], [], []>, transpose_lhs_hint = false} : vector<128x1024xf32>, vector<1024x1024xf32>, vector<128x1024xf32> -> vector<128x1024xf32>
    %get3A_8 = arith.constant 0 : index
    %get3A_9 = arith.constant 0 : index
    %get3A_10 = arith.constant 0 : index
    %get3A_11 = vector.load %arg5[%get3A_8, %get3A_9, %get3A_10] : memref<1x128x1xf32, #tpu.memory_space<vmem>>, vector<1x128x1xf32>
    %get3A_12 = vector.shape_cast %get3A_11 : vector<1x128x1xf32> to vector<128x1xf32>
    %get3A_13 = arith.constant 0 : index
    %get3A_14 = arith.constant 0 : index
    %get3A_15 = arith.constant 0 : index
    %get3A_16 = vector.load %arg4[%get3A_13, %get3A_14, %get3A_15] : memref<1x1x1024xf32, #tpu.memory_space<vmem>>, vector<1x1x1024xf32>
    %get3A_17 = vector.shape_cast %get3A_16 : vector<1x1x1024xf32> to vector<1x1024xf32>
    %add3A = vector.broadcast %get3A_17 : vector<1x1024xf32> to vector<128x1024xf32>
    %add3A_18 = arith.addf %dot_general3A_7, %add3A : vector<128x1024xf32>
    %mul3A = vector.broadcast %get3A_12 : vector<128x1xf32> to vector<128x1024xf32>
    %mul3A_19 = arith.mulf %mul3A, %add3A_18 : vector<128x1024xf32>
    %convert_element_type3A_20 = arith.truncf %mul3A_19 : vector<128x1024xf32> to vector<128x1024xbf16>
    %swap3A = arith.constant 0 : index
    %swap3A_21 = arith.constant 0 : index
    %swap3A_22 = vector.load %arg6[%swap3A, %swap3A_21] : memref<128x1024xbf16, #tpu.memory_space<vmem>>, vector<128x1024xbf16>
    tpu.vector_store %arg6[%swap3A, %swap3A_21], %convert_element_type3A_20 {strides = array<i32>} : memref<128x1024xbf16, #tpu.memory_space<vmem>>, vector<128x1024xbf16>,
    return
  }
  func.func @transform_0(%arg0: i32, %arg1: memref<40xi32, #tpu.memory_space<smem>>) -> (i32, i32) {
    %c0_i32 = arith.constant 0 : i32
    %c0_i32_0 = arith.constant 0 : i32
    return %arg0, %c0_i32 : i32, i32
  }
  func.func @transform_1(%arg0: i32, %arg1: memref<40xi32, #tpu.memory_space<smem>>) -> (i32, i32, i32) {
    %get3A = arith.index_cast %arg0 : i32 to index
    %get3A_0 = memref.load %arg1[%get3A] : memref<40xi32, #tpu.memory_space<smem>>
    %c0_i32 = arith.constant 0 : i32
    %c0_i32_1 = arith.constant 0 : i32
    %c0_i32_2 = arith.constant 0 : i32
    return %get3A_0, %c0_i32, %c0_i32_1 : i32, i32, i32
  }
  func.func @transform_2(%arg0: i32, %arg1: memref<40xi32, #tpu.memory_space<smem>>) -> (i32, i32, i32) {
    %get3A = arith.index_cast %arg0 : i32 to index
    %get3A_0 = memref.load %arg1[%get3A] : memref<40xi32, #tpu.memory_space<smem>>
    %c0_i32 = arith.constant 0 : i32
    %c0_i32_1 = arith.constant 0 : i32
    %c0_i32_2 = arith.constant 0 : i32
    return %get3A_0, %c0_i32, %c0_i32_1 : i32, i32, i32
  }
  func.func @transform_3(%arg0: i32, %arg1: memref<40xi32, #tpu.memory_space<smem>>) -> (i32, i32, i32) {
    %c0_i32 = arith.constant 0 : i32
    %c0_i32_0 = arith.constant 0 : i32
    %c0_i32_1 = arith.constant 0 : i32
    return %arg0, %c0_i32, %c0_i32_0 : i32, i32, i32
  }
  func.func @transform_4(%arg0: i32, %arg1: memref<40xi32, #tpu.memory_space<smem>>) -> (i32, i32) {
    %c0_i32 = arith.constant 0 : i32
    %c0_i32_0 = arith.constant 0 : i32
    return %arg0, %c0_i32 : i32, i32
  }
}

module attributes {stable_mosaic.version = 14 : i64} {
  func.func @_classifier_kernel(%arg0: i32, %arg1: memref<2048x1024xbf16, #tpu.memory_space<vmem>>, %arg2: memref<2048x1024xbf16, #tpu.memory_space<vmem>>, %arg3: memref<1024x512xf32, #tpu.memory_space<vmem>>, %arg4: memref<1x512xf32, #tpu.memory_space<vmem>>, %arg5: memref<1x512xf32, #tpu.memory_space<vmem>>, %arg6: memref<1x512xf32, #tpu.memory_space<vmem>>, %arg7: memref<512x3xf32, #tpu.memory_space<vmem>>, %arg8: memref<1x3xf32, #tpu.memory_space<vmem>>, %arg9: memref<2048x3xf32, #tpu.memory_space<vmem>>) attributes {dimension_semantics = [#tpu.dimension_semantics<arbitrary>], iteration_bounds = array<i64: 1>, scalar_prefetch = 0 : i64, scratch_operands = 0 : i64, tpu.core_type = #tpu.core_type<tc>, window_params = [{pipeline_mode = #tpu.pipeline_mode<synchronous>, transform_indices = @transform_0, window_bounds = array<i64: 2048, 1024>}, {pipeline_mode = #tpu.pipeline_mode<synchronous>, transform_indices = @transform_1, window_bounds = array<i64: 2048, 1024>}, {pipeline_mode = #tpu.pipeline_mode<synchronous>, transform_indices = @transform_2, window_bounds = array<i64: 1024, 512>}, {pipeline_mode = #tpu.pipeline_mode<synchronous>, transform_indices = @transform_3, window_bounds = array<i64: 1, 512>}, {pipeline_mode = #tpu.pipeline_mode<synchronous>, transform_indices = @transform_4, window_bounds = array<i64: 1, 512>}, {pipeline_mode = #tpu.pipeline_mode<synchronous>, transform_indices = @transform_5, window_bounds = array<i64: 1, 512>}, {pipeline_mode = #tpu.pipeline_mode<synchronous>, transform_indices = @transform_6, window_bounds = array<i64: 512, 3>}, {pipeline_mode = #tpu.pipeline_mode<synchronous>, transform_indices = @transform_7, window_bounds = array<i64: 1, 3>}, {pipeline_mode = #tpu.pipeline_mode<synchronous>, transform_indices = @transform_8, window_bounds = array<i64: 2048, 3>}]} {
    %get3A = arith.constant 0 : index
    %get3A_0 = arith.constant 0 : index
    %get3A_1 = vector.load %arg1[%get3A, %get3A_0] : memref<2048x1024xbf16, #tpu.memory_space<vmem>>, vector<2048x1024xbf16>
    %convert_element_type3A = arith.extf %get3A_1 : vector<2048x1024xbf16> to vector<2048x1024xf32>
    %get3A_2 = arith.constant 0 : index
    %get3A_3 = arith.constant 0 : index
    %get3A_4 = vector.load %arg2[%get3A_2, %get3A_3] : memref<2048x1024xbf16, #tpu.memory_space<vmem>>, vector<2048x1024xbf16>
    %convert_element_type3A_5 = arith.extf %get3A_4 : vector<2048x1024xbf16> to vector<2048x1024xf32>
    %add3A = arith.addf %convert_element_type3A, %convert_element_type3A_5 : vector<2048x1024xf32>
    %get3A_6 = arith.constant 0 : index
    %get3A_7 = arith.constant 0 : index
    %get3A_8 = vector.load %arg3[%get3A_6, %get3A_7] : memref<1024x512xf32, #tpu.memory_space<vmem>>, vector<1024x512xf32>
    %dot_general3A = arith.constant dense<0.000000e+00> : vector<2048x512xf32>
    %dot_general3A_9 = tpu.matmul %add3A, %get3A_8, %dot_general3A {dimension_numbers = #tpu.dot_dimension_numbers<[1], [0], [0], [1], [0, 0, 1, 1], [], []>, transpose_lhs_hint = false} : vector<2048x1024xf32>, vector<1024x512xf32>, vector<2048x512xf32> -> vector<2048x512xf32>
    %get3A_10 = arith.constant 0 : index
    %get3A_11 = arith.constant 0 : index
    %get3A_12 = vector.load %arg4[%get3A_10, %get3A_11] : memref<1x512xf32, #tpu.memory_space<vmem>>, vector<1x512xf32>
    %get3A_13 = vector.shape_cast %get3A_12 : vector<1x512xf32> to vector<512xf32>
    %broadcast_in_dim3A = vector.shape_cast %get3A_13 : vector<512xf32> to vector<1x512xf32>
    %add3A_14 = vector.broadcast %broadcast_in_dim3A : vector<1x512xf32> to vector<2048x512xf32>
    %add3A_15 = arith.addf %dot_general3A_9, %add3A_14 : vector<2048x512xf32>
    %reduce_sum3A = arith.constant dense<0.000000e+00> : vector<2048xf32>
    %reduce_sum3A_16 = vector.multi_reduction <add>, %add3A_15, %reduce_sum3A [1] : vector<2048x512xf32> to vector<2048xf32>
    %broadcast_in_dim3A_17 = vector.shape_cast %reduce_sum3A_16 : vector<2048xf32> to vector<2048x1xf32>
    %div3A = arith.constant 5.120000e+02 : f32
    %div3A_18 = vector.broadcast %div3A : f32 to vector<2048x1xf32>
    %div3A_19 = arith.divf %broadcast_in_dim3A_17, %div3A_18 : vector<2048x1xf32>
    %sub3A = vector.broadcast %div3A_19 : vector<2048x1xf32> to vector<2048x512xf32>
    %sub3A_20 = arith.subf %add3A_15, %sub3A : vector<2048x512xf32>
    %integer_pow3A = arith.mulf %sub3A_20, %sub3A_20 : vector<2048x512xf32>
    %reduce_sum3A_21 = arith.constant dense<0.000000e+00> : vector<2048xf32>
    %reduce_sum3A_22 = vector.multi_reduction <add>, %integer_pow3A, %reduce_sum3A_21 [1] : vector<2048x512xf32> to vector<2048xf32>
    %broadcast_in_dim3A_23 = vector.shape_cast %reduce_sum3A_22 : vector<2048xf32> to vector<2048x1xf32>
    %div3A_24 = arith.constant 5.120000e+02 : f32
    %div3A_25 = vector.broadcast %div3A_24 : f32 to vector<2048x1xf32>
    %div3A_26 = arith.divf %broadcast_in_dim3A_23, %div3A_25 : vector<2048x1xf32>
    %sub3A_27 = vector.broadcast %div3A_19 : vector<2048x1xf32> to vector<2048x512xf32>
    %sub3A_28 = arith.subf %add3A_15, %sub3A_27 : vector<2048x512xf32>
    %add3A_29 = arith.constant 9.99999974E-6 : f32
    %add3A_30 = vector.broadcast %add3A_29 : f32 to vector<2048x1xf32>
    %add3A_31 = arith.addf %div3A_26, %add3A_30 : vector<2048x1xf32>
    %rsqrt3A = math.rsqrt %add3A_31 : vector<2048x1xf32>
    %mul3A = vector.broadcast %rsqrt3A : vector<2048x1xf32> to vector<2048x512xf32>
    %mul3A_32 = arith.mulf %sub3A_28, %mul3A : vector<2048x512xf32>
    %get3A_33 = arith.constant 0 : index
    %get3A_34 = arith.constant 0 : index
    %get3A_35 = vector.load %arg5[%get3A_33, %get3A_34] : memref<1x512xf32, #tpu.memory_space<vmem>>, vector<1x512xf32>
    %get3A_36 = vector.shape_cast %get3A_35 : vector<1x512xf32> to vector<512xf32>
    %broadcast_in_dim3A_37 = vector.shape_cast %get3A_36 : vector<512xf32> to vector<1x512xf32>
    %mul3A_38 = vector.broadcast %broadcast_in_dim3A_37 : vector<1x512xf32> to vector<2048x512xf32>
    %mul3A_39 = arith.mulf %mul3A_32, %mul3A_38 : vector<2048x512xf32>
    %get3A_40 = arith.constant 0 : index
    %get3A_41 = arith.constant 0 : index
    %get3A_42 = vector.load %arg6[%get3A_40, %get3A_41] : memref<1x512xf32, #tpu.memory_space<vmem>>, vector<1x512xf32>
    %get3A_43 = vector.shape_cast %get3A_42 : vector<1x512xf32> to vector<512xf32>
    %broadcast_in_dim3A_44 = vector.shape_cast %get3A_43 : vector<512xf32> to vector<1x512xf32>
    %add3A_45 = vector.broadcast %broadcast_in_dim3A_44 : vector<1x512xf32> to vector<2048x512xf32>
    %add3A_46 = arith.addf %mul3A_39, %add3A_45 : vector<2048x512xf32>
    %max3A = arith.constant 0.000000e+00 : f32
    %max3A_47 = vector.broadcast %max3A : f32 to vector<2048x512xf32>
    %max3A_48 = arith.maximumf %add3A_46, %max3A_47 : vector<2048x512xf32>
    %get3A_49 = arith.constant 0 : index
    %get3A_50 = arith.constant 0 : index
    %get3A_51 = vector.load %arg7[%get3A_49, %get3A_50] : memref<512x3xf32, #tpu.memory_space<vmem>>, vector<512x3xf32>
    %dot_general3A_52 = arith.constant dense<0.000000e+00> : vector<2048x3xf32>
    %dot_general3A_53 = tpu.matmul %max3A_48, %get3A_51, %dot_general3A_52 {dimension_numbers = #tpu.dot_dimension_numbers<[1], [0], [0], [1], [0, 0, 1, 1], [], []>, transpose_lhs_hint = false} : vector<2048x512xf32>, vector<512x3xf32>, vector<2048x3xf32> -> vector<2048x3xf32>
    %get3A_54 = arith.constant 0 : index
    %get3A_55 = arith.constant 0 : index
    %get3A_56 = vector.load %arg8[%get3A_54, %get3A_55] : memref<1x3xf32, #tpu.memory_space<vmem>>, vector<1x3xf32>
    %get3A_57 = vector.shape_cast %get3A_56 : vector<1x3xf32> to vector<3xf32>
    %broadcast_in_dim3A_58 = vector.shape_cast %get3A_57 : vector<3xf32> to vector<1x3xf32>
    %add3A_59 = vector.broadcast %broadcast_in_dim3A_58 : vector<1x3xf32> to vector<2048x3xf32>
    %add3A_60 = arith.addf %dot_general3A_53, %add3A_59 : vector<2048x3xf32>
    %swap3A = arith.constant 0 : index
    %swap3A_61 = arith.constant 0 : index
    %swap3A_62 = vector.load %arg9[%swap3A, %swap3A_61] : memref<2048x3xf32, #tpu.memory_space<vmem>>, vector<2048x3xf32>
    tpu.vector_store %arg9[%swap3A, %swap3A_61], %add3A_60 {strides = array<i32>} : memref<2048x3xf32, #tpu.memory_space<vmem>>, vector<2048x3xf32>,
    return
  }
  func.func @transform_0(%arg0: i32) -> (i32, i32) {
    %c0_i32 = arith.constant 0 : i32
    %c0_i32_0 = arith.constant 0 : i32
    %c0_i32_1 = arith.constant 0 : i32
    return %c0_i32, %c0_i32_0 : i32, i32
  }
  func.func @transform_1(%arg0: i32) -> (i32, i32) {
    %c0_i32 = arith.constant 0 : i32
    %c0_i32_0 = arith.constant 0 : i32
    %c0_i32_1 = arith.constant 0 : i32
    return %c0_i32, %c0_i32_0 : i32, i32
  }
  func.func @transform_2(%arg0: i32) -> (i32, i32) {
    %c0_i32 = arith.constant 0 : i32
    %c0_i32_0 = arith.constant 0 : i32
    %c0_i32_1 = arith.constant 0 : i32
    return %c0_i32, %c0_i32_0 : i32, i32
  }
  func.func @transform_3(%arg0: i32) -> (i32, i32) {
    %c0_i32 = arith.constant 0 : i32
    %c0_i32_0 = arith.constant 0 : i32
    %c0_i32_1 = arith.constant 0 : i32
    return %c0_i32, %c0_i32_0 : i32, i32
  }
  func.func @transform_4(%arg0: i32) -> (i32, i32) {
    %c0_i32 = arith.constant 0 : i32
    %c0_i32_0 = arith.constant 0 : i32
    %c0_i32_1 = arith.constant 0 : i32
    return %c0_i32, %c0_i32_0 : i32, i32
  }
  func.func @transform_5(%arg0: i32) -> (i32, i32) {
    %c0_i32 = arith.constant 0 : i32
    %c0_i32_0 = arith.constant 0 : i32
    %c0_i32_1 = arith.constant 0 : i32
    return %c0_i32, %c0_i32_0 : i32, i32
  }
  func.func @transform_6(%arg0: i32) -> (i32, i32) {
    %c0_i32 = arith.constant 0 : i32
    %c0_i32_0 = arith.constant 0 : i32
    %c0_i32_1 = arith.constant 0 : i32
    return %c0_i32, %c0_i32_0 : i32, i32
  }
  func.func @transform_7(%arg0: i32) -> (i32, i32) {
    %c0_i32 = arith.constant 0 : i32
    %c0_i32_0 = arith.constant 0 : i32
    %c0_i32_1 = arith.constant 0 : i32
    return %c0_i32, %c0_i32_0 : i32, i32
  }
  func.func @transform_8(%arg0: i32) -> (i32, i32) {
    %c0_i32 = arith.constant 0 : i32
    %c0_i32_0 = arith.constant 0 : i32
    %c0_i32_1 = arith.constant 0 : i32
    return %c0_i32, %c0_i32_0 : i32, i32
  }
}

</mosaic_0001>

<sc_bundles>
// kernel: kernel.11.cloned.1.call-start
scs
__scs_entry_jumppad:
0x0: {  	(pc) =	sbr.rel $0x88, $3  }
0x1: {  	(tag) =	ssettag $0x0;
	lr =	simm.s32 $0x1  }
0x2: {  	[smem:$0x3F92] =	sst lr;
	_ =	strace $0xD0000000  }
0x3: {  	_ = 	snop  }
0x4: {  	_ = 	snop  }
0x5: {  	_ = 	snop  }
0x6: {  	_ = 	snop  }
0x7: {  	_ = 	snop  }
__scs_overlays_trampoline_lowered:
0x8: {  	[smem:$0x3FA1] =	sst s0  }
0x9: {  	[smem:$0x3FA2] =	sst s1  }
0xa: {  	[smem:$0x3FA3] =	sst s2  }
0xb: {  	[smem:$0x3FA4] =	sst s3  }
0xc: {  	[smem:$0x3FA5] =	sst s4  }
0xd: {  	[smem:$0x3FA6] =	sst s5  }
0xe: {  	[smem:$0x3FA7] =	sst s6  }
0xf: {  	[smem:$0x3FA8] =	sst s7  }
0x10: {  	[smem:$0x3FA9] =	sst s8  }
0x11: {  	[smem:$0x3FAA] =	sst s9;
	s0 =	simm.s32 @!p0 $0x0  }
0x12: {  	s1 =	sld [smem:$0x3F90];
	s0 =	simm.s32 @p0 $0x1  }
0x13: {  	[smem:$0x3FAB] =	sst s0;
	s0 =	simm.s32 @!p1 $0x0  }
0x14: {  	s2 =	sld [smem:$0x3F8F];
	s0 =	simm.s32 @p1 $0x1  }
0x15: {  	[smem:$0x3FAC] =	sst s0;
	s0 =	simm.s32 @!p2 $0x0  }
0x16: {  	s3 =	sld [smem:$0x3FDB];
	s0 =	simm.s32 @p2 $0x1  }
0x17: {  	s4 =	simm.s32 $0x1BF5;
	[smem:$0x3FAE] =	sst s0  }
0x18: {  	s0 =	sld [smem:$0x3F91];
	_ =	swait.ge [sflag:s4], $0x0  }
0x19: {  	s7 =	sld [smem:$0x3F92]  }
0x1a: {  	s8 =	sadd.s32 $0xFFFFE003, lr  }
0x1b: {  	s9 =	sadd.s32 $0xFFFFFEF7, lr;
	s5 =	simm.s32 $0xFFFFFFFF;
	p2 =	slt.u32 s8, $0xFFFFF086  }
0x1c: {  	p1 =	slt.u32 s9, $0xF7A;
	s5 =	simm.s32 @!p2 $0x0  }
0x1d: {  	s5 =	simm.s32 @p1 $0x1;
	p0 =	seq.s32 s7, s2  }
0x1e: {  	s7 =	smul.u32 @!p0 $0xF7A, s2;
	p2 =	seq.s32 @!p0 s5, $0x0  }
0x1f: {  	s9 =	smul.u32 $0xF7A, s1;
	s8 =	simm.s32 @!p0 $0x1BF5;
	p2 =	por !p2, p0  }
0x20: {  	[sflag:s8] =	ssyncset.s32 @!p0 $0xFFFFF086;
	s6 =	sadd.s32 @!p0 s3, s7;
	s7 =	simm.s32 @!p0 $0x108  }
0x21: {  	s3 =	sadd.s32 s3, s9;
	s6 =	sadd.s32 @!p0 $0x88, s6;
	s7 =	simm.s32 @p2 $0x1082  }
0x22: {  	[simem:s7], [sflag:s8] =	dma.local @!p0 [hbm:s6], $0xF7A  }
0x23: {  	s9 =	sor.u32 $0xD0000000, s2;
	s6 =	simm.s32 $0x108;
	_ =	swait.ge @!p0 [sflag:s8], $0x0  }
0x24: {  	s3 =	sadd.s32 $0x88, s3;
	s6 =	simm.s32 @!p1 $0x1082;
	[sflag:s4] =	ssyncset.s32 $0xFFFFF086  }
0x25: {  	[simem:s6], [sflag:s4] =	dma.local [hbm:s3], $0xF7A  }
0x26: {  	[smem:$0x3F92] =	sst s1;
	(tag) =	ssettag s2;
	_ =	strace s9  }
0x27: {  	s1 =	sld [smem:$0x3FA2]  }
0x28: {  	s2 =	sld [smem:$0x3FA3]  }
0x29: {  	s4 =	sld [smem:$0x3FA5]  }
0x2a: {  	p0 =	seq.s32 s5, $0x0;
	s5 =	sld [smem:$0x3FA6]  }
0x2b: {  	s6 =	sld [smem:$0x3FA7]  }
0x2c: {  	s7 =	sld [smem:$0x3FA8]  }
0x2d: {  	s3 =	simm.s32 $0x108;
	s8 =	sld [smem:$0x3FA9]  }
0x2e: {  	s3 =	simm.s32 @!p0 $0x1082;
	s9 =	sld [smem:$0x3FAA]  }
0x2f: {  	lr =	sadd.s32 s0, s3;
	s0 =	sld [smem:$0x3FA1]  }
0x30: {  	s3 =	sld [smem:$0x3FA4]  }
0x31: {  	[smem:$0x3FAD] =	sst s10  }
0x32: {  	s10 =	sld [smem:$0x3FAB];
	_ =	sdelay $0x3  }
0x33: {  	p0 =	seq.s32 s10, $0x1;
	s10 =	sld [smem:$0x3FAD];
	_ =	sdelay $0x3  }
0x34: {  	[smem:$0x3FAD] =	sst s10  }
0x35: {  	s10 =	sld [smem:$0x3FAC];
	_ =	sdelay $0x3  }
0x36: {  	p1 =	seq.s32 s10, $0x1;
	s10 =	sld [smem:$0x3FAD];
	_ =	sdelay $0x3  }
0x37: {  	[smem:$0x3FAD] =	sst s10  }
0x38: {  	s10 =	sld [smem:$0x3FAE]  }
0x39: {  	_ = 	snop;
	(pc) =	sbr.ind lr, $3  }
0x3a: {  	_ = 	snop  }
0x3b: {  	_ = 	snop  }
0x3c: {  	p2 =	seq.s32 s10, $0x1;
	s10 =	sld [smem:$0x3FAD]  }
0x3d: {  	_ =	shalt  }
0x3e: {  	_ =	shalt  }
0x3f: {  	_ =	shalt  }
0x40: {  	_ =	shalt  }
0x41: {  	_ =	shalt  }
0x42: {  	_ =	shalt  }
0x43: {  	_ =	shalt  }
0x44: {  	_ =	shalt  }
0x45: {  	_ =	shalt  }
0x46: {  	_ =	shalt  }
0x47: {  	_ =	shalt  }
0x48: {  	_ =	shalt  }
0x49: {  	_ =	shalt  }
0x4a: {  	_ =	shalt  }
0x4b: {  	_ =	shalt  }
0x4c: {  	_ =	shalt  }
0x4d: {  	_ =	shalt  }
0x4e: {  	_ =	shalt  }
0x4f: {  	_ =	shalt  }
0x50: {  	_ =	shalt  }
0x51: {  	_ =	shalt  }
0x52: {  	_ =	shalt  }
0x53: {  	_ =	shalt  }
0x54: {  	_ =	shalt  }
0x55: {  	_ =	shalt  }
0x56: {  	_ =	shalt  }
0x57: {  	_ =	shalt  }
0x58: {  	_ =	shalt  }
0x59: {  	_ =	shalt  }
0x5a: {  	_ =	shalt  }
0x5b: {  	_ =	shalt  }
0x5c: {  	_ =	shalt  }
0x5d: {  	_ =	shalt  }
0x5e: {  	_ =	shalt  }
0x5f: {  	_ =	shalt  }
0x60: {  	_ =	shalt  }
0x61: {  	_ =	shalt  }
0x62: {  	_ =	shalt  }
0x63: {  	_ =	shalt  }
0x64: {  	_ =	shalt  }
0x65: {  	_ =	shalt  }
0x66: {  	_ =	shalt  }
0x67: {  	_ =	shalt  }
0x68: {  	_ =	shalt  }
0x69: {  	_ =	shalt  }
0x6a: {  	_ =	shalt  }
0x6b: {  	_ =	shalt  }
0x6c: {  	_ =	shalt  }
0x6d: {  	_ =	shalt  }
0x6e: {  	_ =	shalt  }
0x6f: {  	_ =	shalt  }
0x70: {  	_ =	shalt  }
0x71: {  	_ =	shalt  }
0x72: {  	_ =	shalt  }
0x73: {  	_ =	shalt  }
0x74: {  	_ =	shalt  }
0x75: {  	_ =	shalt  }
0x76: {  	_ =	shalt  }
0x77: {  	_ =	shalt  }
0x78: {  	_ =	shalt  }
0x79: {  	_ =	shalt  }
0x7a: {  	_ =	shalt  }
0x7b: {  	_ =	shalt  }
0x7c: {  	_ =	shalt  }
0x7d: {  	_ =	shalt  }
0x7e: {  	_ =	shalt  }
0x7f: {  	_ =	shalt  }
0x80: {  	_ =	shalt  }
0x81: {  	_ =	shalt  }
0x82: {  	_ =	shalt  }
0x83: {  	_ =	shalt  }
0x84: {  	_ =	shalt  }
0x85: {  	_ =	shalt  }
0x86: {  	_ =	shalt  }
0x87: {  	_ =	shalt  }
.Lfunc_end0:
.L_simem_size_0:
called_computation.1_lowered:
.L_overlay_start_0:
0x88: {  	s2 =	sld [smem:$0x3FD9]  }
0x89: {  	s3 =	sld [smem:$0x3FFE];
	_ =	sdelay $0x1  }
0x8a: {  	s1 =	srdreg.scid  }
0x8b: {  	s0 =	sand.u32 $0x1, s1  }
0x8c: {  	s16 =	sshll.u32 s0, $0xA;
	s2 =	sadd.s32 s3, s2  }
0x8d: {  	s2 =	sadd.s32 s2, s16  }
0x8e: {  	[smem:$0x3FB9] =	sst s2  }
0x8f: {  	_ = 	snop  }
0x90: {  	(tm) =	ssettm $0x1  }
0x91: {  	s17 =	sld [smem:$0x3FFB];
	_ =	sdelay $0x3  }
0x92: {  	_ =	strace s17  }
0x93: {  	s2 =	sld [smem:$0x3FFC];
	_ =	sdelay $0x3  }
0x94: {  	_ =	strace s2  }
0x95: {  	s2 =	sld [smem:$0x3FFD];
	_ =	sdelay $0x3  }
0x96: {  	_ =	strace s2  }
0x97: {  	_ =	strace $0x8FFFFFFF  }
0x98: {  	s18 =	sld [smem:$0x3FDB];
	_ =	sdelay $0x1  }
0x99: {  	s19 =	simm.s32 $_scs_section_size  }
0x9a: {  	s4 =	simm.s32 $_size__tile_overlayer_lowered;
	s5 =	simm.s32 $_tile_overlayer_lowered  }
0x9b: {  	s22 =	simm.s32 $0x1BFF;
	s21 =	sshll.u32 s5, $0x1;
	s2 =	sadd.s32 s19, s18  }
0x9c: {  	s6 =	simm.s32 $0x0;
	s20 =	sshll.u32 s4, $0x1;
	s4 =	sadd.s32 s21, s2  }
0x9d: {  	[timem:s6], [sflag:s22] =	dma.local [hbm:s4], s20  }
0x9e: {  	_ =	swait.ge [sflag:s22], s20  }
0x9f: {  	s3 =	ssub.s32 $0x0, s20;
	[sflag:s22] =	ssyncset.done $0x0  }
0xa0: {  	[sflag:s22] =	ssyncadd.s32 s3;
	_ =	sdelay $0x1  }
0xa1: {  	s23 =	simm.s32 $0x1B8B  }
0xa2: {  	_ =	swait.ge [sflag:s23], $0x1  }
0xa3: {  	[sflag:s23] =	ssyncset.done $0x0  }
0xa4: {  	s25 =	simm.s32 $0x1B8E;
	s24 =	sld [smem:$0x3FFE];
	[sflag:s23] =	ssyncadd.s32 $0xFFFFFFFF  }
0xa5: {  	s26 =	simm.s32 $execute0_lowered;
	[smem:$0x3FD2] =	sst s25  }
0xa6: {  	s4 =	sshll.u32 s26, $0x1;
	_ =	strace $0x80000049;
	[dreg:$0x1] =	wrdreg $0xFFFFFFFF  }
0xa7: {  	s28 =	simm.s32 $_size_execute0_lowered;
	s2 =	sadd.s32 s2, s4;
	[dreg:$0x0] =	wrdreg $0x0  }
0xa8: {  	s4 =	sshll.u32 s28, $0x1;
	[dreg:$0x2] =	wrdreg s2  }
0xa9: {  	[dreg:$0x3] =	wrdreg s4  }
0xaa: {  	[dreg:$0x4] =	wrdreg $0xC0  }
0xab: {  	_ =	task [dreg:s6], $0x5FFFF  }
0xac: {  	[dreg:$0x1] =	wrdreg $0xFFFFFFFF  }
0xad: {  	[dreg:$0x0] =	wrdreg $0x60  }
0xae: {  	[dreg:$0x2] =	wrdreg s24  }
0xaf: {  	[dreg:$0x3] =	wrdreg $0x9  }
0xb0: {  	_ =	task.clear_ibuf [dreg:s6], $0x4FFFF;
	_ =	strace $0x90000049  }
0xb1: {  	s29 =	simm.s32 $0x9;
	_ =	strace $0x8000004B  }
0xb2: {  	_ =	swait.ge [sflag:s29], $0x1  }
0xb3: {  	[sflag:s29] =	ssyncadd.s32 $0xFFFFFFFF  }
0xb4: {  	_ =	strace $0x9000004B  }
0xb5: {  	_ =	sfence  }
0xb6: {  	s30 =	sld [smem:$0x0];
	_ =	sdelay $0x2  }
0xb7: {  	s31 =	sshll.u32 s1, $0xD;
	s1 =	sshrl.u32 s1, $0x2  }
0xb8: {  	s3 =	sand.u32 $0x4000, s31;
	s1 =	sadd.s32 s1, s30  }
0xb9: {  	s0 =	sor.u32 s3, s0;
	s1 =	sshll.u32 s1, $0x11  }
0xba: {  	s0 =	sor.u32 s1, s0  }
0xbb: {  	s0 =	sadd.s32 $0x8F2B, s0  }
0xbc: {  	[sflag:s0] =	ssyncadd.remote.s32 $0x1  }
0xbd: {  	_ =	sfence.sel $0xFFFF  }
0xbe: {  	[dreg:$0x0] =	wrdreg $0xFFFFFFFF;
	(pc) =	sbr.abs _section_cstart, $3  }
0xbf: {  	[dreg:$0x1] =	wrdreg $0xFFFFFFFF  }
0xc0: {  	_ =	task.clear_ibuf [dreg:s6], $0x2FFFF;
	_ =	strace $0x9FFFFFFF  }
0xc1: {  	(tm) =	ssettm $0x7FFFFFFF  }
tec
execute0_lowered:
.L_overlay_start_1:
0x0: {  	(tag) =	ssettag $0x1  }
0x1: {  	s1 =	srdreg.scid  }
0x2: {  	s0 =	stileid.u32;
	s4 =	rddreg [dreg:$0x0]  }
0x3: {  	s16 =	simm.s32 $0x100;
	s17 =	simm.s32 $0xA00;
	s18 =	simm.s32 $0x1200  }
0x4: {  	s20 =	simm.s32 $0x1A00;
	s21 =	simm.s32 $0x2200;
	s22 =	simm.s32 $0x2A00  }
0x5: {  	s23 =	simm.s32 $0x3200;
	s1 =	sand.u32 $0x1, s1;
	s2 =	sshll.u32 s0, $0x1  }
0x6: {  	s24 =	simm.s32 $0x3A00;
	s3 =	sor.u32 s1, s2;
	s2 =	simm.s32 $0x0  }
0x7: {  	s25 =	simm.s32 $0x4A00;
	s26 =	simm.s32 $0x5200;
	[smem:$0x7FF] =	sst s2  }
0x8: {  	s10 =	simm.s32 $0x6200;
	_ =	strace $0x8000004A;
	[dreg:$0x8] =	wrdreg s16  }
0x9: {  	s11 =	simm.s32 $0x6A00;
	s28 =	simm.s32 $0xEA00;
	[dreg:$0x9] =	wrdreg s17  }
0xa: {  	s29 =	simm.s32 $0xF200;
	s30 =	simm.s32 $0xFA00;
	[dreg:$0xa] =	wrdreg s18  }
0xb: {  	s31 =	simm.s32 $0x1;
	s6 =	sadd.s32 $0x59C00, s4;
	[dreg:$0xb] =	wrdreg s20  }
0xc: {  	s8 =	sadd.s32 $0x7A400, s4;
	s1 =	ssub.s32 $0x2, s1;
	[dreg:$0xc] =	wrdreg s21  }
0xd: {  	s5 =	sshll.u32 s3, $0x5;
	s3 =	sshll.u32 s3, $0xC;
	[dreg:$0xd] =	wrdreg s22  }
0xe: {  	s19 =	sshrl.u32 s1, $0x1;
	s5 =	sadd.s32 s5, s4;
	[dreg:$0xe] =	wrdreg s23  }
0xf: {  	s12 =	sadd.s32 s6, s3;
	s13 =	sor.u32 $0x800, s3;
	[dreg:$0xf] =	wrdreg s24  }
0x10: {  	s3 =	sadd.s32 s8, s3;
	s1 =	ssub.s32 s1, s19;
	[dreg:$0x10] =	wrdreg s25  }
0x11: {  	[dreg:$0x11] =	wrdreg s26;
	s16 =	simm.s32 $0x9200;
	s17 =	simm.s32 $0x9A00  }
0x12: {  	s18 =	simm.s32 $0xA200;
	s19 =	simm.s32 $0xAA00;
	s20 =	simm.s32 $0xB200  }
0x13: {  	s21 =	simm.s32 $0xBA00;
	s22 =	simm.s32 $0xC200;
	s23 =	simm.s32 $0xCA00  }
0x14: {  	s24 =	simm.s32 $0xD200;
	s25 =	simm.s32 $0xDA00;
	s26 =	simm.s32 $0xE200  }
0x15: {  	s7 =	sadd.s32 $0x79C00, s5;
	s5 =	sadd.s32 $0x7A000, s5;
	[dreg:$0x4] =	wrdreg s12  }
0x16: {  	s14 =	sadd.s32 s6, s13;
	[dreg:$0x6] =	wrdreg s3;
	s15 =	sadd.s32 s8, s13  }
0x17: {  	s3 =	sadd.s32 $0x9C00, s4;
	s4 =	sadd.s32 $0x9D00, s4;
	[dreg:$0x2] =	wrdreg s7  }
0x18: {  	s6 =	simm.s32 $0x3;
	s8 =	simm.s32 $0x4200;
	[dreg:$0x3] =	wrdreg s5  }
0x19: {  	v2 =	vlaneseq.u32;
	s12 =	simm.s32 $0x7200;
	s13 =	simm.s32 $0x7A00;
	[dreg:$0x5] =	wrdreg s14  }
0x1a: {  	vm0 =	vmmov $0xffff;
	v1 =	vshrl.u32 v2, $0x3;
	[dreg:$0x7] =	wrdreg s15;
	s5 =	smax.u32 s1, $0x1;
	s7 =	simm.s32 $0x200  }
0x1b: {  	v0 =	vand.u32 $0x7, v2;
	v2 =	vor.u32 $0x8, v2;
	v1 =	vmul.u32 $0x8, v1;
	s14 =	simm.s32 $0x8200;
	s15 =	simm.s32 $0x8A00;
	s1 =	simm.s32 $0x2  }
.LBB2_1:
0x1c: {  	s0 =	rddreg [dreg:$0x2]  }
0x1d: {  	[tilespmem:s2], [sflag:$0x3] =	stream.linear.gather [hbm4b:s0+s2], $0x100, $0x38;
	[tilespmem:$0x10200] =	vst v63  }
0x1e: {  	_ =	swait.ge [sflag:s6], $0x100  }
0x1f: {  	s0 =	rddreg [dreg:$0x3];
	[sflag:s6] =	ssyncset.done $0x0  }
0x20: {  	s9 =	rddreg [dreg:$0x8];
	[sflag:s6] =	ssyncadd.s32 $0xFFFFFF00  }
0x21: {  	[tilespmem:s9], [sflag:$0x3] =	stream.linear.gather [hbm4b:s0+s2], $0x100, $0x38;
	[tilespmem:$0x10200] =	vst v63  }
0x22: {  	_ =	swait.ge [sflag:s6], $0x100  }
0x23: {  	[sflag:s6] =	ssyncset.done $0x0  }
0x24: {  	[sflag:s6] =	ssyncadd.s32 $0xFFFFFF00  }
0x25: {  	v3 =	vld [tilespmem:$0x0];
	_ =	sdelay $0x4  }
0x26: {  	v4 =	vshll.u32 v3, $0x2  }
0x27: {  	v3 =	vand.u32 $0x7, v3;
	v4 =	vand.u32 $0xFFFFFFE0, v4  }
0x28: {  	v3 =	vor.u32 v3, v4  }
0x29: {  	v4 =	vperm.xlane v3, v0;
	_ =	sdelay $0x1  }
0x2a: {  	v4 =	vadd.s32 v1, v4;
	_ =	sdelay $0x1  }
0x2b: {  	v3 =	vperm.xlane v3, v2;
	_ =	sdelay $0x1  }
0x2c: {  	v3 =	vadd.s32 v1, v3  }
0x2d: {  	[tilespmem:s7], [sflag:$0x1] =	stream.indirect_vreg.gather [hbm4b:s3+s2], $0x80, v4, vm0, $0xb8;
	[tilespmem:$0x10200] =	vst v63  }
0x2e: {  	s0 =	rddreg [dreg:$0x9]  }
0x2f: {  	[tilespmem:s0], [sflag:$0x1] =	stream.indirect_vreg.gather [hbm4b:s4+s2], $0x80, v4, vm0, $0xb8;
	[tilespmem:$0x10200] =	vst v63  }
0x30: {  	s9 =	rddreg [dreg:$0xa]  }
0x31: {  	[tilespmem:s9], [sflag:$0x1] =	stream.indirect_vreg.gather [hbm4b:s3+s2], $0x80, v3, vm0, $0xb8;
	[tilespmem:$0x10200] =	vst v63  }
0x32: {  	s0 =	rddreg [dreg:$0xb]  }
0x33: {  	[tilespmem:s0], [sflag:$0x1] =	stream.indirect_vreg.gather [hbm4b:s4+s2], $0x80, v3, vm0, $0xb8;
	[tilespmem:$0x10200] =	vst v63  }
0x34: {  	v3 =	vld [tilespmem:$0x10];
	_ =	sdelay $0x4  }
0x35: {  	v57 =	vshll.u32 v3, $0x2  }
0x36: {  	v3 =	vand.u32 $0x7, v3;
	v4 =	vand.u32 $0xFFFFFFE0, v57  }
0x37: {  	v3 =	vor.u32 v3, v4  }
0x38: {  	v4 =	vperm.xlane v3, v0;
	_ =	sdelay $0x1  }
0x39: {  	v4 =	vadd.s32 v1, v4;
	_ =	sdelay $0x1  }
0x3a: {  	v3 =	vperm.xlane v3, v2;
	_ =	sdelay $0x1  }
0x3b: {  	s0 =	rddreg [dreg:$0xc];
	v3 =	vadd.s32 v1, v3  }
0x3c: {  	[tilespmem:s0], [sflag:$0x1] =	stream.indirect_vreg.gather [hbm4b:s3+s2], $0x80, v4, vm0, $0xb8;
	[tilespmem:$0x10200] =	vst v63  }
0x3d: {  	s9 =	rddreg [dreg:$0xd]  }
0x3e: {  	[tilespmem:s9], [sflag:$0x1] =	stream.indirect_vreg.gather [hbm4b:s4+s2], $0x80, v4, vm0, $0xb8;
	[tilespmem:$0x10200] =	vst v63  }
0x3f: {  	s0 =	rddreg [dreg:$0xe]  }
0x40: {  	[tilespmem:s0], [sflag:$0x1] =	stream.indirect_vreg.gather [hbm4b:s3+s2], $0x80, v3, vm0, $0xb8;
	[tilespmem:$0x10200] =	vst v63  }
0x41: {  	s9 =	rddreg [dreg:$0xf]  }
0x42: {  	[tilespmem:s9], [sflag:$0x1] =	stream.indirect_vreg.gather [hbm4b:s4+s2], $0x80, v3, vm0, $0xb8;
	[tilespmem:$0x10200] =	vst v63  }
0x43: {  	v3 =	vld [tilespmem:$0x80];
	_ =	sdelay $0x4  }
0x44: {  	v58 =	vshll.u32 v3, $0x2  }
0x45: {  	v3 =	vand.u32 $0x7, v3;
	v4 =	vand.u32 $0xFFFFFFE0, v58  }
0x46: {  	v3 =	vor.u32 v3, v4  }
0x47: {  	v4 =	vperm.xlane v3, v0;
	_ =	sdelay $0x1  }
0x48: {  	v4 =	vadd.s32 v1, v4;
	_ =	sdelay $0x1  }
0x49: {  	v3 =	vperm.xlane v3, v2;
	_ =	sdelay $0x1  }
0x4a: {  	v3 =	vadd.s32 v1, v3  }
0x4b: {  	[tilespmem:s8], [sflag:$0x1] =	stream.indirect_vreg.gather [hbm4b:s3+s2], $0x80, v4, vm0, $0xb8;
	[tilespmem:$0x10200] =	vst v63  }
0x4c: {  	s0 =	rddreg [dreg:$0x10]  }
0x4d: {  	[tilespmem:s0], [sflag:$0x1] =	stream.indirect_vreg.gather [hbm4b:s4+s2], $0x80, v4, vm0, $0xb8;
	[tilespmem:$0x10200] =	vst v63  }
0x4e: {  	s9 =	rddreg [dreg:$0x11]  }
0x4f: {  	[tilespmem:s9], [sflag:$0x1] =	stream.indirect_vreg.gather [hbm4b:s3+s2], $0x80, v3, vm0, $0xb8;
	[tilespmem:$0x10200] =	vst v63  }
0x50: {  	s9 =	simm.s32 $0x5A00  }
0x51: {  	[tilespmem:s9], [sflag:$0x1] =	stream.indirect_vreg.gather [hbm4b:s4+s2], $0x80, v3, vm0, $0xb8;
	[tilespmem:$0x10200] =	vst v63  }
0x52: {  	v3 =	vld [tilespmem:$0x90];
	_ =	sdelay $0x4  }
0x53: {  	v59 =	vshll.u32 v3, $0x2  }
0x54: {  	v3 =	vand.u32 $0x7, v3;
	v4 =	vand.u32 $0xFFFFFFE0, v59  }
0x55: {  	v3 =	vor.u32 v3, v4  }
0x56: {  	v4 =	vperm.xlane v3, v0;
	_ =	sdelay $0x1  }
0x57: {  	v4 =	vadd.s32 v1, v4;
	_ =	sdelay $0x1  }
0x58: {  	v3 =	vperm.xlane v3, v2;
	_ =	sdelay $0x1  }
0x59: {  	v3 =	vadd.s32 v1, v3  }
0x5a: {  	[tilespmem:s10], [sflag:$0x1] =	stream.indirect_vreg.gather [hbm4b:s3+s2], $0x80, v4, vm0, $0xb8;
	[tilespmem:$0x10200] =	vst v63  }
0x5b: {  	_ = 	snop  }
0x5c: {  	[tilespmem:s11], [sflag:$0x1] =	stream.indirect_vreg.gather [hbm4b:s4+s2], $0x80, v4, vm0, $0xb8;
	[tilespmem:$0x10200] =	vst v63  }
0x5d: {  	_ = 	snop  }
0x5e: {  	[tilespmem:s12], [sflag:$0x1] =	stream.indirect_vreg.gather [hbm4b:s3+s2], $0x80, v3, vm0, $0xb8;
	[tilespmem:$0x10200] =	vst v63  }
0x5f: {  	_ = 	snop  }
0x60: {  	[tilespmem:s13], [sflag:$0x1] =	stream.indirect_vreg.gather [hbm4b:s4+s2], $0x80, v3, vm0, $0xb8;
	[tilespmem:$0x10200] =	vst v63  }
0x61: {  	v3 =	vld [tilespmem:$0x100];
	_ =	sdelay $0x4  }
0x62: {  	v60 =	vshll.u32 v3, $0x2  }
0x63: {  	v3 =	vand.u32 $0x7, v3;
	v4 =	vand.u32 $0xFFFFFFE0, v60  }
0x64: {  	v3 =	vor.u32 v3, v4  }
0x65: {  	v4 =	vperm.xlane v3, v0;
	_ =	sdelay $0x1  }
0x66: {  	v4 =	vadd.s32 v1, v4;
	_ =	sdelay $0x1  }
0x67: {  	v3 =	vperm.xlane v3, v2;
	_ =	sdelay $0x1  }
0x68: {  	v3 =	vadd.s32 v1, v3  }
0x69: {  	[tilespmem:s14], [sflag:$0x1] =	stream.indirect_vreg.gather [hbm4b:s3+s2], $0x80, v4, vm0, $0xb8;
	[tilespmem:$0x10200] =	vst v63  }
0x6a: {  	_ = 	snop  }
0x6b: {  	[tilespmem:s15], [sflag:$0x1] =	stream.indirect_vreg.gather [hbm4b:s4+s2], $0x80, v4, vm0, $0xb8;
	[tilespmem:$0x10200] =	vst v63  }
0x6c: {  	_ = 	snop  }
0x6d: {  	[tilespmem:s16], [sflag:$0x1] =	stream.indirect_vreg.gather [hbm4b:s3+s2], $0x80, v3, vm0, $0xb8;
	[tilespmem:$0x10200] =	vst v63  }
0x6e: {  	_ = 	snop  }
0x6f: {  	[tilespmem:s17], [sflag:$0x1] =	stream.indirect_vreg.gather [hbm4b:s4+s2], $0x80, v3, vm0, $0xb8;
	[tilespmem:$0x10200] =	vst v63  }
0x70: {  	v3 =	vld [tilespmem:$0x110];
	_ =	sdelay $0x4  }
0x71: {  	v61 =	vshll.u32 v3, $0x2  }
0x72: {  	v3 =	vand.u32 $0x7, v3;
	v4 =	vand.u32 $0xFFFFFFE0, v61  }
0x73: {  	v3 =	vor.u32 v3, v4  }
0x74: {  	v4 =	vperm.xlane v3, v0;
	_ =	sdelay $0x1  }
0x75: {  	v4 =	vadd.s32 v1, v4;
	_ =	sdelay $0x1  }
0x76: {  	v3 =	vperm.xlane v3, v2;
	_ =	sdelay $0x1  }
0x77: {  	v3 =	vadd.s32 v1, v3  }
0x78: {  	[tilespmem:s18], [sflag:$0x1] =	stream.indirect_vreg.gather [hbm4b:s3+s2], $0x80, v4, vm0, $0xb8;
	[tilespmem:$0x10200] =	vst v63  }
0x79: {  	_ = 	snop  }
0x7a: {  	[tilespmem:s19], [sflag:$0x1] =	stream.indirect_vreg.gather [hbm4b:s4+s2], $0x80, v4, vm0, $0xb8;
	[tilespmem:$0x10200] =	vst v63  }
0x7b: {  	_ = 	snop  }
0x7c: {  	[tilespmem:s20], [sflag:$0x1] =	stream.indirect_vreg.gather [hbm4b:s3+s2], $0x80, v3, vm0, $0xb8;
	[tilespmem:$0x10200] =	vst v63  }
0x7d: {  	_ = 	snop  }
0x7e: {  	[tilespmem:s21], [sflag:$0x1] =	stream.indirect_vreg.gather [hbm4b:s4+s2], $0x80, v3, vm0, $0xb8;
	[tilespmem:$0x10200] =	vst v63  }
0x7f: {  	v3 =	vld [tilespmem:$0x180];
	_ =	sdelay $0x4  }
0x80: {  	v62 =	vshll.u32 v3, $0x2  }
0x81: {  	v3 =	vand.u32 $0x7, v3;
	v4 =	vand.u32 $0xFFFFFFE0, v62  }
0x82: {  	v3 =	vor.u32 v3, v4  }
0x83: {  	v4 =	vperm.xlane v3, v0;
	_ =	sdelay $0x1  }
0x84: {  	v4 =	vadd.s32 v1, v4;
	_ =	sdelay $0x1  }
0x85: {  	v3 =	vperm.xlane v3, v2;
	_ =	sdelay $0x1  }
0x86: {  	v3 =	vadd.s32 v1, v3  }
0x87: {  	[tilespmem:s22], [sflag:$0x1] =	stream.indirect_vreg.gather [hbm4b:s3+s2], $0x80, v4, vm0, $0xb8;
	[tilespmem:$0x10200] =	vst v63  }
0x88: {  	_ = 	snop  }
0x89: {  	[tilespmem:s23], [sflag:$0x1] =	stream.indirect_vreg.gather [hbm4b:s4+s2], $0x80, v4, vm0, $0xb8;
	[tilespmem:$0x10200] =	vst v63  }
0x8a: {  	_ = 	snop  }
0x8b: {  	[tilespmem:s24], [sflag:$0x1] =	stream.indirect_vreg.gather [hbm4b:s3+s2], $0x80, v3, vm0, $0xb8;
	[tilespmem:$0x10200] =	vst v63  }
0x8c: {  	_ = 	snop  }
0x8d: {  	[tilespmem:s25], [sflag:$0x1] =	stream.indirect_vreg.gather [hbm4b:s4+s2], $0x80, v3, vm0, $0xb8;
	[tilespmem:$0x10200] =	vst v63  }
0x8e: {  	v3 =	vld [tilespmem:$0x190];
	_ =	sdelay $0x4  }
0x8f: {  	v63 =	vshll.u32 v3, $0x2  }
0x90: {  	v3 =	vand.u32 $0x7, v3;
	v4 =	vand.u32 $0xFFFFFFE0, v63  }
0x91: {  	v3 =	vor.u32 v3, v4  }
0x92: {  	v4 =	vperm.xlane v3, v0;
	_ =	sdelay $0x1  }
0x93: {  	v4 =	vadd.s32 v1, v4;
	_ =	sdelay $0x1  }
0x94: {  	v3 =	vperm.xlane v3, v2;
	_ =	sdelay $0x1  }
0x95: {  	v3 =	vadd.s32 v1, v3  }
0x96: {  	[tilespmem:s26], [sflag:$0x1] =	stream.indirect_vreg.gather [hbm4b:s3+s2], $0x80, v4, vm0, $0xb8;
	[tilespmem:$0x10200] =	vst v63  }
0x97: {  	_ = 	snop  }
0x98: {  	[tilespmem:s28], [sflag:$0x1] =	stream.indirect_vreg.gather [hbm4b:s4+s2], $0x80, v4, vm0, $0xb8;
	[tilespmem:$0x10200] =	vst v63  }
0x99: {  	_ = 	snop  }
0x9a: {  	[tilespmem:s29], [sflag:$0x1] =	stream.indirect_vreg.gather [hbm4b:s3+s2], $0x80, v3, vm0, $0xb8;
	[tilespmem:$0x10200] =	vst v63  }
0x9b: {  	_ = 	snop  }
0x9c: {  	[tilespmem:s30], [sflag:$0x1] =	stream.indirect_vreg.gather [hbm4b:s4+s2], $0x80, v3, vm0, $0xb8;
	[tilespmem:$0x10200] =	vst v63  }
0x9d: {  	_ =	swait.ge [sflag:s31], $0x4000  }
0x9e: {  	[sflag:s31] =	ssyncset.done $0x0  }
0x9f: {  	s9 =	rddreg [dreg:$0x4];
	[sflag:s31] =	ssyncadd.s32 $0xFFFFC000  }
0xa0: {  	[hbm4b:s9+s2] =	stream.linear.scatter [tilespmem:s7], [sflag:$0x2], $0x4000, $0x38;
	[tilespmem:$0x10200] =	vst v63  }
0xa1: {  	_ =	swait.ge [sflag:s31], $0x4000  }
0xa2: {  	[sflag:s31] =	ssyncset.done $0x0  }
0xa3: {  	s9 =	rddreg [dreg:$0x5];
	[sflag:s31] =	ssyncadd.s32 $0xFFFFC000  }
0xa4: {  	[hbm4b:s9+s2] =	stream.linear.scatter [tilespmem:s8], [sflag:$0x2], $0x4000, $0x38;
	[tilespmem:$0x10200] =	vst v63  }
0xa5: {  	_ =	swait.ge [sflag:s31], $0x4000  }
0xa6: {  	[sflag:s31] =	ssyncset.done $0x0  }
0xa7: {  	s9 =	rddreg [dreg:$0x6];
	[sflag:s31] =	ssyncadd.s32 $0xFFFFC000  }
0xa8: {  	[hbm4b:s9+s2] =	stream.linear.scatter [tilespmem:s14], [sflag:$0x2], $0x4000, $0x38;
	[tilespmem:$0x10200] =	vst v63  }
0xa9: {  	_ =	swait.ge [sflag:s31], $0x4000  }
0xaa: {  	[sflag:s31] =	ssyncset.done $0x0  }
0xab: {  	s9 =	rddreg [dreg:$0x7];
	[sflag:s31] =	ssyncadd.s32 $0xFFFFC000  }
0xac: {  	[hbm4b:s9+s2] =	stream.linear.scatter [tilespmem:s22], [sflag:$0x2], $0x4000, $0x38;
	[tilespmem:$0x10200] =	vst v63  }
0xad: {  	_ =	swait.ge [sflag:s1], $0x4000  }
0xae: {  	[sflag:s1] =	ssyncset.done $0x0  }
0xaf: {  	[sflag:s1] =	ssyncadd.s32 $0xFFFFC000  }
0xb0: {  	_ =	swait.ge [sflag:s1], $0x4000  }
0xb1: {  	[sflag:s1] =	ssyncset.done $0x0  }
0xb2: {  	[sflag:s1] =	ssyncadd.s32 $0xFFFFC000  }
0xb3: {  	p0 =	sne.s32 s5, $0x1;
	_ =	swait.ge [sflag:s1], $0x4000  }
.Ltmp0:
0xb4: {  	[sflag:s1] =	ssyncset.done $0x0;
	(pc) =	sbr.rel @p0 .LBB2_1-.Ltmp0, $4  }
0xb5: {  	[sflag:s1] =	ssyncadd.s32 $0xFFFFC000  }
0xb6: {  	_ =	swait.ge [sflag:s1], $0x4000  }
0xb7: {  	[sflag:s1] =	ssyncset.done $0x0  }
0xb8: {  	s5 =	sadd.s32 $0xFFFFFFFF, s5;
	[sflag:s1] =	ssyncadd.s32 $0xFFFFC000  }
0xb9: {  	_ =	sfence.sel $0x180000  }
0xba: {  	[bflag:$0x0] =	sbarrier.arrive $0xFFFF  }
0xbb: {  	_ =	strace $0x9000004A  }
0xbc: {  	s0 =	stileid.u32;
	[bflag:$0x2] =	sbarrier.arrive $0xFFFF  }
0xbd: {  	p0 =	sne.s32 s0, $0x0;
	s0 =	rddreg [dreg:$0x1]  }
0xbe: {  	s0 =	sadd.s32 @!p0 $0x100000, s0  }
0xbf: {  	[sflag:s0] =	ssyncadd.tile.s32 @!p0 $0x1;
	_ =	shalt  }
.Lfunc_end2:
_tile_overlayer_lowered:
.L_overlay_start_2:
0xc0: {  	(tag) =	ssettag $0x2  }
0xc1: {  	s0 =	rddreg [dreg:$0x0];
	s2 =	stileid.u32  }
0xc2: {  	s1 =	rddreg [dreg:$0x1];
	p0 =	sne.s32 s2, $0x0  }
0xc3: {  	s3 =	rddreg [dreg:$0x2];
	[bflag:$0x3] =	sbarrier.arrive $0xFFFF;
	s2 =	simm.s32 @!p0 $0x1C03  }
0xc4: {  	[timem:s3], [sflag:s2] =	dma.local @!p0 [hbm:s0], s1  }
0xc5: {  	s0 =	simm.s32 @!p0 $0x3  }
0xc6: {  	_ =	swait.ge @!p0 [sflag:s0], s1  }
0xc7: {  	s1 =	ssub.s32 @!p0 $0x0, s1;
	[sflag:s0] =	ssyncset.done @!p0 $0x0  }
0xc8: {  	[sflag:s0] =	ssyncadd.s32 @!p0 s1  }
0xc9: {  	[bflag:$0x3] =	sbarrier.arrive $0xFFFF  }
0xca: {  	_ =	shalt  }

// kernel: kernel.8.cloned.1.call-start
scs
__scs_entry_jumppad:
0x0: {  	(pc) =	sbr.rel $0x88, $3  }
0x1: {  	(tag) =	ssettag $0x0;
	lr =	simm.s32 $0x1  }
0x2: {  	[smem:$0x3F92] =	sst lr;
	_ =	strace $0xD0000000  }
0x3: {  	_ = 	snop  }
0x4: {  	_ = 	snop  }
0x5: {  	_ = 	snop  }
0x6: {  	_ = 	snop  }
0x7: {  	_ = 	snop  }
__scs_overlays_trampoline_lowered:
0x8: {  	[smem:$0x3FA1] =	sst s0  }
0x9: {  	[smem:$0x3FA2] =	sst s1  }
0xa: {  	[smem:$0x3FA3] =	sst s2  }
0xb: {  	[smem:$0x3FA4] =	sst s3  }
0xc: {  	[smem:$0x3FA5] =	sst s4  }
0xd: {  	[smem:$0x3FA6] =	sst s5  }
0xe: {  	[smem:$0x3FA7] =	sst s6  }
0xf: {  	[smem:$0x3FA8] =	sst s7  }
0x10: {  	[smem:$0x3FA9] =	sst s8  }
0x11: {  	[smem:$0x3FAA] =	sst s9;
	s0 =	simm.s32 @!p0 $0x0  }
0x12: {  	s1 =	sld [smem:$0x3F90];
	s0 =	simm.s32 @p0 $0x1  }
0x13: {  	[smem:$0x3FAB] =	sst s0;
	s0 =	simm.s32 @!p1 $0x0  }
0x14: {  	s2 =	sld [smem:$0x3F8F];
	s0 =	simm.s32 @p1 $0x1  }
0x15: {  	[smem:$0x3FAC] =	sst s0;
	s0 =	simm.s32 @!p2 $0x0  }
0x16: {  	s3 =	sld [smem:$0x3FDB];
	s0 =	simm.s32 @p2 $0x1  }
0x17: {  	s4 =	simm.s32 $0x1BF5;
	[smem:$0x3FAE] =	sst s0  }
0x18: {  	s0 =	sld [smem:$0x3F91];
	_ =	swait.ge [sflag:s4], $0x0  }
0x19: {  	s7 =	sld [smem:$0x3F92]  }
0x1a: {  	s8 =	sadd.s32 $0xFFFFE003, lr  }
0x1b: {  	s9 =	sadd.s32 $0xFFFFFEF7, lr;
	s5 =	simm.s32 $0xFFFFFFFF;
	p2 =	slt.u32 s8, $0xFFFFF086  }
0x1c: {  	p1 =	slt.u32 s9, $0xF7A;
	s5 =	simm.s32 @!p2 $0x0  }
0x1d: {  	s5 =	simm.s32 @p1 $0x1;
	p0 =	seq.s32 s7, s2  }
0x1e: {  	s7 =	smul.u32 @!p0 $0xF7A, s2;
	p2 =	seq.s32 @!p0 s5, $0x0  }
0x1f: {  	s9 =	smul.u32 $0xF7A, s1;
	s8 =	simm.s32 @!p0 $0x1BF5;
	p2 =	por !p2, p0  }
0x20: {  	[sflag:s8] =	ssyncset.s32 @!p0 $0xFFFFF086;
	s6 =	sadd.s32 @!p0 s3, s7;
	s7 =	simm.s32 @!p0 $0x108  }
0x21: {  	s3 =	sadd.s32 s3, s9;
	s6 =	sadd.s32 @!p0 $0x88, s6;
	s7 =	simm.s32 @p2 $0x1082  }
0x22: {  	[simem:s7], [sflag:s8] =	dma.local @!p0 [hbm:s6], $0xF7A  }
0x23: {  	s9 =	sor.u32 $0xD0000000, s2;
	s6 =	simm.s32 $0x108;
	_ =	swait.ge @!p0 [sflag:s8], $0x0  }
0x24: {  	s3 =	sadd.s32 $0x88, s3;
	s6 =	simm.s32 @!p1 $0x1082;
	[sflag:s4] =	ssyncset.s32 $0xFFFFF086  }
0x25: {  	[simem:s6], [sflag:s4] =	dma.local [hbm:s3], $0xF7A  }
0x26: {  	[smem:$0x3F92] =	sst s1;
	(tag) =	ssettag s2;
	_ =	strace s9  }
0x27: {  	s1 =	sld [smem:$0x3FA2]  }
0x28: {  	s2 =	sld [smem:$0x3FA3]  }
0x29: {  	s4 =	sld [smem:$0x3FA5]  }
0x2a: {  	p0 =	seq.s32 s5, $0x0;
	s5 =	sld [smem:$0x3FA6]  }
0x2b: {  	s6 =	sld [smem:$0x3FA7]  }
0x2c: {  	s7 =	sld [smem:$0x3FA8]  }
0x2d: {  	s3 =	simm.s32 $0x108;
	s8 =	sld [smem:$0x3FA9]  }
0x2e: {  	s3 =	simm.s32 @!p0 $0x1082;
	s9 =	sld [smem:$0x3FAA]  }
0x2f: {  	lr =	sadd.s32 s0, s3;
	s0 =	sld [smem:$0x3FA1]  }
0x30: {  	s3 =	sld [smem:$0x3FA4]  }
0x31: {  	[smem:$0x3FAD] =	sst s10  }
0x32: {  	s10 =	sld [smem:$0x3FAB];
	_ =	sdelay $0x3  }
0x33: {  	p0 =	seq.s32 s10, $0x1;
	s10 =	sld [smem:$0x3FAD];
	_ =	sdelay $0x3  }
0x34: {  	[smem:$0x3FAD] =	sst s10  }
0x35: {  	s10 =	sld [smem:$0x3FAC];
	_ =	sdelay $0x3  }
0x36: {  	p1 =	seq.s32 s10, $0x1;
	s10 =	sld [smem:$0x3FAD];
	_ =	sdelay $0x3  }
0x37: {  	[smem:$0x3FAD] =	sst s10  }
0x38: {  	s10 =	sld [smem:$0x3FAE]  }
0x39: {  	_ = 	snop;
	(pc) =	sbr.ind lr, $3  }
0x3a: {  	_ = 	snop  }
0x3b: {  	_ = 	snop  }
0x3c: {  	p2 =	seq.s32 s10, $0x1;
	s10 =	sld [smem:$0x3FAD]  }
0x3d: {  	_ =	shalt  }
0x3e: {  	_ =	shalt  }
0x3f: {  	_ =	shalt  }
0x40: {  	_ =	shalt  }
0x41: {  	_ =	shalt  }
0x42: {  	_ =	shalt  }
0x43: {  	_ =	shalt  }
0x44: {  	_ =	shalt  }
0x45: {  	_ =	shalt  }
0x46: {  	_ =	shalt  }
0x47: {  	_ =	shalt  }
0x48: {  	_ =	shalt  }
0x49: {  	_ =	shalt  }
0x4a: {  	_ =	shalt  }
0x4b: {  	_ =	shalt  }
0x4c: {  	_ =	shalt  }
0x4d: {  	_ =	shalt  }
0x4e: {  	_ =	shalt  }
0x4f: {  	_ =	shalt  }
0x50: {  	_ =	shalt  }
0x51: {  	_ =	shalt  }
0x52: {  	_ =	shalt  }
0x53: {  	_ =	shalt  }
0x54: {  	_ =	shalt  }
0x55: {  	_ =	shalt  }
0x56: {  	_ =	shalt  }
0x57: {  	_ =	shalt  }
0x58: {  	_ =	shalt  }
0x59: {  	_ =	shalt  }
0x5a: {  	_ =	shalt  }
0x5b: {  	_ =	shalt  }
0x5c: {  	_ =	shalt  }
0x5d: {  	_ =	shalt  }
0x5e: {  	_ =	shalt  }
0x5f: {  	_ =	shalt  }
0x60: {  	_ =	shalt  }
0x61: {  	_ =	shalt  }
0x62: {  	_ =	shalt  }
0x63: {  	_ =	shalt  }
0x64: {  	_ =	shalt  }
0x65: {  	_ =	shalt  }
0x66: {  	_ =	shalt  }
0x67: {  	_ =	shalt  }
0x68: {  	_ =	shalt  }
0x69: {  	_ =	shalt  }
0x6a: {  	_ =	shalt  }
0x6b: {  	_ =	shalt  }
0x6c: {  	_ =	shalt  }
0x6d: {  	_ =	shalt  }
0x6e: {  	_ =	shalt  }
0x6f: {  	_ =	shalt  }
0x70: {  	_ =	shalt  }
0x71: {  	_ =	shalt  }
0x72: {  	_ =	shalt  }
0x73: {  	_ =	shalt  }
0x74: {  	_ =	shalt  }
0x75: {  	_ =	shalt  }
0x76: {  	_ =	shalt  }
0x77: {  	_ =	shalt  }
0x78: {  	_ =	shalt  }
0x79: {  	_ =	shalt  }
0x7a: {  	_ =	shalt  }
0x7b: {  	_ =	shalt  }
0x7c: {  	_ =	shalt  }
0x7d: {  	_ =	shalt  }
0x7e: {  	_ =	shalt  }
0x7f: {  	_ =	shalt  }
0x80: {  	_ =	shalt  }
0x81: {  	_ =	shalt  }
0x82: {  	_ =	shalt  }
0x83: {  	_ =	shalt  }
0x84: {  	_ =	shalt  }
0x85: {  	_ =	shalt  }
0x86: {  	_ =	shalt  }
0x87: {  	_ =	shalt  }
.Lfunc_end0:
.L_simem_size_0:
called_computation_lowered:
.L_overlay_start_0:
0x88: {  	s2 =	sld [smem:$0x3FD9]  }
0x89: {  	s3 =	sld [smem:$0x3FFE];
	_ =	sdelay $0x1  }
0x8a: {  	s1 =	srdreg.scid  }
0x8b: {  	s0 =	sand.u32 $0x1, s1  }
0x8c: {  	s14 =	sshll.u32 s0, $0xA;
	s2 =	sadd.s32 s3, s2  }
0x8d: {  	s2 =	sadd.s32 s2, s14  }
0x8e: {  	[smem:$0x3FB9] =	sst s2  }
0x8f: {  	_ = 	snop  }
0x90: {  	s2 =	sld [smem:$0x3FD0];
	_ =	sdelay $0x2  }
0x91: {  	s15 =	simm.s32 $0xA;
	s4 =	simm.s32 $0x10  }
0x92: {  	[smem:s4], [sflag:s15] =	dma.local [hbm:s2], $0x1  }
0x93: {  	_ =	swait.eq [sflag:s15], $0x1  }
0x94: {  	[sflag:s15] =	ssyncset.done $0x0  }
0x95: {  	[sflag:s15] =	ssyncadd.s32 $0xFFFFFFFF  }
0x96: {  	s16 =	sld [smem:$0x11];
	(tm) =	ssettm $0x1  }
0x97: {  	s17 =	sld [smem:$0x3FFB];
	_ =	sdelay $0x3  }
0x98: {  	_ =	strace s17  }
0x99: {  	s3 =	sld [smem:$0x3FFC];
	_ =	sdelay $0x3  }
0x9a: {  	_ =	strace s3  }
0x9b: {  	s3 =	sld [smem:$0x3FFD];
	_ =	sdelay $0x3  }
0x9c: {  	_ =	strace s3  }
0x9d: {  	_ =	strace $0x8FFFFFFF  }
0x9e: {  	s18 =	sld [smem:$0x3FDB];
	_ =	sdelay $0x1  }
0x9f: {  	s19 =	simm.s32 $_scs_section_size  }
0xa0: {  	s5 =	simm.s32 $_size__tile_overlayer_lowered;
	s6 =	simm.s32 $_tile_overlayer_lowered  }
0xa1: {  	s22 =	simm.s32 $0x1BFF;
	s21 =	sshll.u32 s6, $0x1;
	s3 =	sadd.s32 s19, s18  }
0xa2: {  	s7 =	simm.s32 $0x0;
	s20 =	sshll.u32 s5, $0x1;
	s5 =	sadd.s32 s21, s3  }
0xa3: {  	[timem:s7], [sflag:s22] =	dma.local [hbm:s5], s20  }
0xa4: {  	_ =	swait.ge [sflag:s22], s20  }
0xa5: {  	s4 =	ssub.s32 $0x0, s20;
	[sflag:s22] =	ssyncset.done $0x0  }
0xa6: {  	[sflag:s22] =	ssyncadd.s32 s4;
	_ =	sdelay $0x1  }
0xa7: {  	s23 =	simm.s32 $0x1B8B  }
0xa8: {  	_ =	swait.ge [sflag:s23], $0x1  }
0xa9: {  	[sflag:s23] =	ssyncset.done $0x0  }
0xaa: {  	s25 =	simm.s32 $0x1B8E;
	s24 =	sld [smem:$0x3FFE];
	[sflag:s23] =	ssyncadd.s32 $0xFFFFFFFF  }
0xab: {  	s26 =	simm.s32 $execute0_lowered;
	[smem:$0x3FD2] =	sst s25  }
0xac: {  	s5 =	sshll.u32 s26, $0x1;
	_ =	strace $0x80000046;
	[dreg:$0x1] =	wrdreg $0xFFFFFFFF  }
0xad: {  	s28 =	simm.s32 $_size_execute0_lowered;
	s3 =	sadd.s32 s3, s5;
	[dreg:$0x0] =	wrdreg $0x0  }
0xae: {  	s5 =	sshll.u32 s28, $0x1;
	[dreg:$0x2] =	wrdreg s3  }
0xaf: {  	[dreg:$0x3] =	wrdreg s5  }
0xb0: {  	[dreg:$0x4] =	wrdreg $0xC0  }
0xb1: {  	_ =	task [dreg:s7], $0x5FFFF  }
0xb2: {  	[dreg:$0x1] =	wrdreg $0xFFFFFFFF  }
0xb3: {  	[dreg:$0x0] =	wrdreg $0x60  }
0xb4: {  	[dreg:$0x2] =	wrdreg s16  }
0xb5: {  	[dreg:$0x3] =	wrdreg s24  }
0xb6: {  	[dreg:$0x4] =	wrdreg $0x9  }
0xb7: {  	_ =	task.clear_ibuf [dreg:s7], $0x5FFFF;
	_ =	strace $0x90000046  }
0xb8: {  	s29 =	simm.s32 $0x9;
	_ =	strace $0x80000048  }
0xb9: {  	_ =	swait.ge [sflag:s29], $0x1  }
0xba: {  	[sflag:s29] =	ssyncadd.s32 $0xFFFFFFFF  }
0xbb: {  	_ =	strace $0x90000048  }
0xbc: {  	_ =	sfence  }
0xbd: {  	s30 =	sld [smem:$0x0];
	_ =	sdelay $0x2  }
0xbe: {  	s31 =	sshll.u32 s1, $0xD;
	s1 =	sshrl.u32 s1, $0x2  }
0xbf: {  	s3 =	sand.u32 $0x4000, s31;
	s1 =	sadd.s32 s1, s30  }
0xc0: {  	s0 =	sor.u32 s3, s0;
	s1 =	sshll.u32 s1, $0x11  }
0xc1: {  	s0 =	sor.u32 s1, s0  }
0xc2: {  	s0 =	sadd.s32 $0x8F2B, s0  }
0xc3: {  	[sflag:s0] =	ssyncadd.remote.s32 $0x1  }
0xc4: {  	_ =	sfence.sel $0xFFFF  }
0xc5: {  	[dreg:$0x0] =	wrdreg $0xFFFFFFFF;
	(pc) =	sbr.abs _section_cstart, $3  }
0xc6: {  	[dreg:$0x1] =	wrdreg $0xFFFFFFFF  }
0xc7: {  	_ =	task.clear_ibuf [dreg:s7], $0x2FFFF;
	_ =	strace $0x9FFFFFFF  }
0xc8: {  	(tm) =	ssettm $0x7FFFFFFF  }
0xc9: {  	_ =	shalt  }
tec
execute0_lowered:
.L_overlay_start_1:
0x0: {  	(tag) =	ssettag $0x1  }
0x1: {  	s0 =	rddreg [dreg:$0x0]  }
0x2: {  	s4 =	rddreg [dreg:$0x1];
	s2 =	simm.s32 $0x0  }
0x3: {  	s3 =	srdreg.scid;
	s9 =	simm.s32 $0xA00;
	[smem:$0x7FF] =	sst s2  }
0x4: {  	s10 =	simm.s32 $0x1200;
	_ =	strace $0x80000047;
	[dreg:$0x8] =	wrdreg s9  }
0x5: {  	s1 =	stileid.u32;
	s11 =	simm.s32 $0x1A00;
	[dreg:$0x9] =	wrdreg s10  }
0x6: {  	s12 =	simm.s32 $0x2200;
	s13 =	simm.s32 $0x2A00;
	[dreg:$0xa] =	wrdreg s11  }
0x7: {  	s14 =	simm.s32 $0x3200;
	s15 =	simm.s32 $0x3A00;
	[dreg:$0xb] =	wrdreg s12  }
0x8: {  	s16 =	simm.s32 $0x4200;
	s17 =	simm.s32 $0x4A00;
	[dreg:$0xc] =	wrdreg s13  }
0x9: {  	s18 =	simm.s32 $0x5A00;
	s20 =	simm.s32 $0x6200;
	[dreg:$0xd] =	wrdreg s14  }
0xa: {  	s21 =	simm.s32 $0x6A00;
	s22 =	simm.s32 $0x7200;
	[dreg:$0xe] =	wrdreg s15  }
0xb: {  	s23 =	simm.s32 $0x7A00;
	s28 =	simm.s32 $0x12A00;
	[dreg:$0xf] =	wrdreg s16  }
0xc: {  	s29 =	simm.s32 $0x13200;
	s30 =	simm.s32 $0x13A00;
	[dreg:$0x10] =	wrdreg s17  }
0xd: {  	s31 =	simm.s32 $0x1;
	s5 =	sand.u32 $0x1, s3;
	[dreg:$0x11] =	wrdreg s18  }
0xe: {  	s24 =	sshll.u32 s1, $0x1;
	s8 =	sshll.u32 s1, $0x7;
	[dreg:$0x12] =	wrdreg s20  }
0xf: {  	s25 =	sadd.s32 $0x29C00, s4;
	s3 =	sor.u32 s5, s24;
	[dreg:$0x13] =	wrdreg s21  }
0x10: {  	s6 =	sshll.u32 s5, $0x6;
	s5 =	ssub.s32 $0x2, s5;
	[dreg:$0x14] =	wrdreg s22  }
0x11: {  	[dreg:$0x15] =	wrdreg s23;
	s24 =	simm.s32 $0x8200;
	s10 =	simm.s32 $0xA200  }
0x12: {  	s11 =	simm.s32 $0xAA00;
	s12 =	simm.s32 $0xB200;
	s13 =	simm.s32 $0xBA00  }
0x13: {  	s14 =	simm.s32 $0xC200;
	s15 =	simm.s32 $0xCA00;
	s16 =	simm.s32 $0xD200  }
0x14: {  	s17 =	simm.s32 $0xDA00;
	s18 =	simm.s32 $0xE200;
	s20 =	simm.s32 $0xF200  }
0x15: {  	s21 =	simm.s32 $0xFA00;
	s22 =	simm.s32 $0x10200;
	s7 =	smul.u32 $0x14000, s3  }
0x16: {  	s23 =	simm.s32 $0x10A00;
	s0 =	sadd.s32 s0, s6;
	s3 =	smul.u32 $0x2800, s3  }
0x17: {  	s19 =	sshrl.u32 s5, $0x1;
	[dreg:$0x16] =	wrdreg s24;
	s24 =	simm.s32 $0x11200  }
0x18: {  	s0 =	sadd.s32 s8, s0;
	s5 =	ssub.s32 s5, s19;
	s19 =	simm.s32 $0xEA00  }
0x19: {  	s7 =	sshrl.u32 s7, $0x3;
	[dreg:$0x3] =	wrdreg s0;
	s26 =	sadd.s32 s25, s3  }
0x1a: {  	s1 =	sadd.s32 s25, s7;
	[dreg:$0x4] =	wrdreg s26;
	s25 =	simm.s32 $0x8A00  }
0x1b: {  	s3 =	sadd.s32 $0x9C00, s4;
	s26 =	simm.s32 $0x9200;
	[dreg:$0x17] =	wrdreg s25  }
0x1c: {  	s4 =	sadd.s32 $0x9D00, s4;
	s6 =	sadd.s32 $0xA00, s1;
	[dreg:$0x18] =	wrdreg s26  }
0x1d: {  	s5 =	smax.u32 s5, $0x1;
	s7 =	sadd.s32 $0x1400, s1;
	[dreg:$0x5] =	wrdreg s6  }
0x1e: {  	v2 =	vlaneseq.u32;
	s0 =	simm.s32 $0x2;
	s8 =	sadd.s32 $0x1E00, s1;
	[dreg:$0x6] =	wrdreg s7  }
0x1f: {  	vm0 =	vmmov $0xffff;
	v1 =	vshrl.u32 v2, $0x3;
	s25 =	simm.s32 $0x11A00;
	s26 =	simm.s32 $0x12200;
	[dreg:$0x7] =	wrdreg s8  }
0x20: {  	v0 =	vand.u32 $0x7, v2;
	v2 =	vor.u32 $0x8, v2;
	v1 =	vmul.u32 $0x8, v1;
	s6 =	simm.s32 $0x3;
	s7 =	simm.s32 $0x200;
	s8 =	simm.s32 $0x5200  }
.LBB2_1:
0x21: {  	s1 =	rddreg [dreg:$0x3]  }
0x22: {  	[tilespmem:s2], [sflag:$0x3] =	stream.linear.gather [hbm4b:s1+s2], $0x200, $0x38;
	[tilespmem:$0x14200] =	vst v63  }
0x23: {  	_ =	swait.ge [sflag:s6], $0x200  }
0x24: {  	[sflag:s6] =	ssyncset.done $0x0  }
0x25: {  	[sflag:s6] =	ssyncadd.s32 $0xFFFFFE00  }
0x26: {  	v3 =	vld [tilespmem:$0x0];
	_ =	sdelay $0x4  }
0x27: {  	v4 =	vshll.u32 v3, $0x2  }
0x28: {  	v3 =	vand.u32 $0x7, v3;
	v4 =	vand.u32 $0xFFFFFFE0, v4  }
0x29: {  	v3 =	vor.u32 v3, v4  }
0x2a: {  	v4 =	vperm.xlane v3, v0;
	_ =	sdelay $0x1  }
0x2b: {  	v4 =	vadd.s32 v1, v4;
	_ =	sdelay $0x1  }
0x2c: {  	v3 =	vperm.xlane v3, v2;
	_ =	sdelay $0x1  }
0x2d: {  	v3 =	vadd.s32 v1, v3  }
0x2e: {  	[tilespmem:s7], [sflag:$0x1] =	stream.indirect_vreg.gather [hbm4b:s3+s2], $0x80, v4, vm0, $0xb8;
	[tilespmem:$0x14200] =	vst v63  }
0x2f: {  	s1 =	rddreg [dreg:$0x8]  }
0x30: {  	[tilespmem:s1], [sflag:$0x1] =	stream.indirect_vreg.gather [hbm4b:s4+s2], $0x80, v4, vm0, $0xb8;
	[tilespmem:$0x14200] =	vst v63  }
0x31: {  	s9 =	rddreg [dreg:$0x9]  }
0x32: {  	[tilespmem:s9], [sflag:$0x1] =	stream.indirect_vreg.gather [hbm4b:s3+s2], $0x80, v3, vm0, $0xb8;
	[tilespmem:$0x14200] =	vst v63  }
0x33: {  	s1 =	rddreg [dreg:$0xa]  }
0x34: {  	[tilespmem:s1], [sflag:$0x1] =	stream.indirect_vreg.gather [hbm4b:s4+s2], $0x80, v3, vm0, $0xb8;
	[tilespmem:$0x14200] =	vst v63  }
0x35: {  	v3 =	vld [tilespmem:$0x10];
	_ =	sdelay $0x4  }
0x36: {  	v53 =	vshll.u32 v3, $0x2  }
0x37: {  	v3 =	vand.u32 $0x7, v3;
	v4 =	vand.u32 $0xFFFFFFE0, v53  }
0x38: {  	v3 =	vor.u32 v3, v4  }
0x39: {  	v4 =	vperm.xlane v3, v0;
	_ =	sdelay $0x1  }
0x3a: {  	v4 =	vadd.s32 v1, v4;
	_ =	sdelay $0x1  }
0x3b: {  	v3 =	vperm.xlane v3, v2;
	_ =	sdelay $0x1  }
0x3c: {  	s1 =	rddreg [dreg:$0xb];
	v3 =	vadd.s32 v1, v3  }
0x3d: {  	[tilespmem:s1], [sflag:$0x1] =	stream.indirect_vreg.gather [hbm4b:s3+s2], $0x80, v4, vm0, $0xb8;
	[tilespmem:$0x14200] =	vst v63  }
0x3e: {  	s9 =	rddreg [dreg:$0xc]  }
0x3f: {  	[tilespmem:s9], [sflag:$0x1] =	stream.indirect_vreg.gather [hbm4b:s4+s2], $0x80, v4, vm0, $0xb8;
	[tilespmem:$0x14200] =	vst v63  }
0x40: {  	s1 =	rddreg [dreg:$0xd]  }
0x41: {  	[tilespmem:s1], [sflag:$0x1] =	stream.indirect_vreg.gather [hbm4b:s3+s2], $0x80, v3, vm0, $0xb8;
	[tilespmem:$0x14200] =	vst v63  }
0x42: {  	s9 =	rddreg [dreg:$0xe]  }
0x43: {  	[tilespmem:s9], [sflag:$0x1] =	stream.indirect_vreg.gather [hbm4b:s4+s2], $0x80, v3, vm0, $0xb8;
	[tilespmem:$0x14200] =	vst v63  }
0x44: {  	v3 =	vld.msk [tilespmem:$0x20], $0xff;
	_ =	sdelay $0x4  }
0x45: {  	v54 =	vshll.u32 v3, $0x2  }
0x46: {  	v3 =	vand.u32 $0x7, v3;
	v4 =	vand.u32 $0xFFFFFFE0, v54  }
0x47: {  	v3 =	vor.u32 v3, v4  }
0x48: {  	v3 =	vperm.xlane v3, v0;
	_ =	sdelay $0x1  }
0x49: {  	v3 =	vadd.s32 v1, v3;
	_ =	sdelay $0x3  }
0x4a: {  	s1 =	rddreg [dreg:$0xf]  }
0x4b: {  	[tilespmem:s1], [sflag:$0x1] =	stream.indirect_vreg.gather [hbm4b:s3+s2], $0x80, v3, vm0, $0xb8;
	[tilespmem:$0x14200] =	vst v63  }
0x4c: {  	s9 =	rddreg [dreg:$0x10]  }
0x4d: {  	[tilespmem:s9], [sflag:$0x1] =	stream.indirect_vreg.gather [hbm4b:s4+s2], $0x80, v3, vm0, $0xb8;
	[tilespmem:$0x14200] =	vst v63  }
0x4e: {  	v3 =	vld [tilespmem:$0x80];
	_ =	sdelay $0x4  }
0x4f: {  	v55 =	vshll.u32 v3, $0x2  }
0x50: {  	v3 =	vand.u32 $0x7, v3;
	v4 =	vand.u32 $0xFFFFFFE0, v55  }
0x51: {  	v3 =	vor.u32 v3, v4  }
0x52: {  	v4 =	vperm.xlane v3, v0;
	_ =	sdelay $0x1  }
0x53: {  	v4 =	vadd.s32 v1, v4;
	_ =	sdelay $0x1  }
0x54: {  	v3 =	vperm.xlane v3, v2;
	_ =	sdelay $0x1  }
0x55: {  	v3 =	vadd.s32 v1, v3  }
0x56: {  	[tilespmem:s8], [sflag:$0x1] =	stream.indirect_vreg.gather [hbm4b:s3+s2], $0x80, v4, vm0, $0xb8;
	[tilespmem:$0x14200] =	vst v63  }
0x57: {  	s1 =	rddreg [dreg:$0x11]  }
0x58: {  	[tilespmem:s1], [sflag:$0x1] =	stream.indirect_vreg.gather [hbm4b:s4+s2], $0x80, v4, vm0, $0xb8;
	[tilespmem:$0x14200] =	vst v63  }
0x59: {  	s9 =	rddreg [dreg:$0x12]  }
0x5a: {  	[tilespmem:s9], [sflag:$0x1] =	stream.indirect_vreg.gather [hbm4b:s3+s2], $0x80, v3, vm0, $0xb8;
	[tilespmem:$0x14200] =	vst v63  }
0x5b: {  	s1 =	rddreg [dreg:$0x13]  }
0x5c: {  	[tilespmem:s1], [sflag:$0x1] =	stream.indirect_vreg.gather [hbm4b:s4+s2], $0x80, v3, vm0, $0xb8;
	[tilespmem:$0x14200] =	vst v63  }
0x5d: {  	v3 =	vld [tilespmem:$0x90];
	_ =	sdelay $0x4  }
0x5e: {  	v56 =	vshll.u32 v3, $0x2  }
0x5f: {  	v3 =	vand.u32 $0x7, v3;
	v4 =	vand.u32 $0xFFFFFFE0, v56  }
0x60: {  	v3 =	vor.u32 v3, v4  }
0x61: {  	v4 =	vperm.xlane v3, v0;
	_ =	sdelay $0x1  }
0x62: {  	v4 =	vadd.s32 v1, v4;
	_ =	sdelay $0x1  }
0x63: {  	v3 =	vperm.xlane v3, v2;
	_ =	sdelay $0x1  }
0x64: {  	s1 =	rddreg [dreg:$0x14];
	v3 =	vadd.s32 v1, v3  }
0x65: {  	[tilespmem:s1], [sflag:$0x1] =	stream.indirect_vreg.gather [hbm4b:s3+s2], $0x80, v4, vm0, $0xb8;
	[tilespmem:$0x14200] =	vst v63  }
0x66: {  	s9 =	rddreg [dreg:$0x15]  }
0x67: {  	[tilespmem:s9], [sflag:$0x1] =	stream.indirect_vreg.gather [hbm4b:s4+s2], $0x80, v4, vm0, $0xb8;
	[tilespmem:$0x14200] =	vst v63  }
0x68: {  	s1 =	rddreg [dreg:$0x16]  }
0x69: {  	[tilespmem:s1], [sflag:$0x1] =	stream.indirect_vreg.gather [hbm4b:s3+s2], $0x80, v3, vm0, $0xb8;
	[tilespmem:$0x14200] =	vst v63  }
0x6a: {  	s9 =	rddreg [dreg:$0x17]  }
0x6b: {  	[tilespmem:s9], [sflag:$0x1] =	stream.indirect_vreg.gather [hbm4b:s4+s2], $0x80, v3, vm0, $0xb8;
	[tilespmem:$0x14200] =	vst v63  }
0x6c: {  	v3 =	vld.msk [tilespmem:$0xA0], $0xff;
	_ =	sdelay $0x4  }
0x6d: {  	v57 =	vshll.u32 v3, $0x2  }
0x6e: {  	v3 =	vand.u32 $0x7, v3;
	v4 =	vand.u32 $0xFFFFFFE0, v57  }
0x6f: {  	v3 =	vor.u32 v3, v4  }
0x70: {  	v3 =	vperm.xlane v3, v0;
	_ =	sdelay $0x1  }
0x71: {  	v3 =	vadd.s32 v1, v3;
	_ =	sdelay $0x3  }
0x72: {  	s9 =	rddreg [dreg:$0x18]  }
0x73: {  	[tilespmem:s9], [sflag:$0x1] =	stream.indirect_vreg.gather [hbm4b:s3+s2], $0x80, v3, vm0, $0xb8;
	[tilespmem:$0x14200] =	vst v63  }
0x74: {  	s9 =	simm.s32 $0x9A00  }
0x75: {  	[tilespmem:s9], [sflag:$0x1] =	stream.indirect_vreg.gather [hbm4b:s4+s2], $0x80, v3, vm0, $0xb8;
	[tilespmem:$0x14200] =	vst v63  }
0x76: {  	v3 =	vld [tilespmem:$0x100];
	_ =	sdelay $0x4  }
0x77: {  	v58 =	vshll.u32 v3, $0x2  }
0x78: {  	v3 =	vand.u32 $0x7, v3;
	v4 =	vand.u32 $0xFFFFFFE0, v58  }
0x79: {  	v3 =	vor.u32 v3, v4  }
0x7a: {  	v4 =	vperm.xlane v3, v0;
	_ =	sdelay $0x1  }
0x7b: {  	v4 =	vadd.s32 v1, v4;
	_ =	sdelay $0x1  }
0x7c: {  	v3 =	vperm.xlane v3, v2;
	_ =	sdelay $0x1  }
0x7d: {  	v3 =	vadd.s32 v1, v3  }
0x7e: {  	[tilespmem:s10], [sflag:$0x1] =	stream.indirect_vreg.gather [hbm4b:s3+s2], $0x80, v4, vm0, $0xb8;
	[tilespmem:$0x14200] =	vst v63  }
0x7f: {  	_ = 	snop  }
0x80: {  	[tilespmem:s11], [sflag:$0x1] =	stream.indirect_vreg.gather [hbm4b:s4+s2], $0x80, v4, vm0, $0xb8;
	[tilespmem:$0x14200] =	vst v63  }
0x81: {  	_ = 	snop  }
0x82: {  	[tilespmem:s12], [sflag:$0x1] =	stream.indirect_vreg.gather [hbm4b:s3+s2], $0x80, v3, vm0, $0xb8;
	[tilespmem:$0x14200] =	vst v63  }
0x83: {  	_ = 	snop  }
0x84: {  	[tilespmem:s13], [sflag:$0x1] =	stream.indirect_vreg.gather [hbm4b:s4+s2], $0x80, v3, vm0, $0xb8;
	[tilespmem:$0x14200] =	vst v63  }
0x85: {  	v3 =	vld [tilespmem:$0x110];
	_ =	sdelay $0x4  }
0x86: {  	v59 =	vshll.u32 v3, $0x2  }
0x87: {  	v3 =	vand.u32 $0x7, v3;
	v4 =	vand.u32 $0xFFFFFFE0, v59  }
0x88: {  	v3 =	vor.u32 v3, v4  }
0x89: {  	v4 =	vperm.xlane v3, v0;
	_ =	sdelay $0x1  }
0x8a: {  	v4 =	vadd.s32 v1, v4;
	_ =	sdelay $0x1  }
0x8b: {  	v3 =	vperm.xlane v3, v2;
	_ =	sdelay $0x1  }
0x8c: {  	v3 =	vadd.s32 v1, v3  }
0x8d: {  	[tilespmem:s14], [sflag:$0x1] =	stream.indirect_vreg.gather [hbm4b:s3+s2], $0x80, v4, vm0, $0xb8;
	[tilespmem:$0x14200] =	vst v63  }
0x8e: {  	_ = 	snop  }
0x8f: {  	[tilespmem:s15], [sflag:$0x1] =	stream.indirect_vreg.gather [hbm4b:s4+s2], $0x80, v4, vm0, $0xb8;
	[tilespmem:$0x14200] =	vst v63  }
0x90: {  	_ = 	snop  }
0x91: {  	[tilespmem:s16], [sflag:$0x1] =	stream.indirect_vreg.gather [hbm4b:s3+s2], $0x80, v3, vm0, $0xb8;
	[tilespmem:$0x14200] =	vst v63  }
0x92: {  	_ = 	snop  }
0x93: {  	[tilespmem:s17], [sflag:$0x1] =	stream.indirect_vreg.gather [hbm4b:s4+s2], $0x80, v3, vm0, $0xb8;
	[tilespmem:$0x14200] =	vst v63  }
0x94: {  	v3 =	vld.msk [tilespmem:$0x120], $0xff;
	_ =	sdelay $0x4  }
0x95: {  	v60 =	vshll.u32 v3, $0x2  }
0x96: {  	v3 =	vand.u32 $0x7, v3;
	v4 =	vand.u32 $0xFFFFFFE0, v60  }
0x97: {  	v3 =	vor.u32 v3, v4  }
0x98: {  	v3 =	vperm.xlane v3, v0;
	_ =	sdelay $0x1  }
0x99: {  	v3 =	vadd.s32 v1, v3;
	_ =	sdelay $0x4  }
0x9a: {  	[tilespmem:s18], [sflag:$0x1] =	stream.indirect_vreg.gather [hbm4b:s3+s2], $0x80, v3, vm0, $0xb8;
	[tilespmem:$0x14200] =	vst v63  }
0x9b: {  	_ = 	snop  }
0x9c: {  	[tilespmem:s19], [sflag:$0x1] =	stream.indirect_vreg.gather [hbm4b:s4+s2], $0x80, v3, vm0, $0xb8;
	[tilespmem:$0x14200] =	vst v63  }
0x9d: {  	v3 =	vld [tilespmem:$0x180];
	_ =	sdelay $0x4  }
0x9e: {  	v61 =	vshll.u32 v3, $0x2  }
0x9f: {  	v3 =	vand.u32 $0x7, v3;
	v4 =	vand.u32 $0xFFFFFFE0, v61  }
0xa0: {  	v3 =	vor.u32 v3, v4  }
0xa1: {  	v4 =	vperm.xlane v3, v0;
	_ =	sdelay $0x1  }
0xa2: {  	v4 =	vadd.s32 v1, v4;
	_ =	sdelay $0x1  }
0xa3: {  	v3 =	vperm.xlane v3, v2;
	_ =	sdelay $0x1  }
0xa4: {  	v3 =	vadd.s32 v1, v3  }
0xa5: {  	[tilespmem:s20], [sflag:$0x1] =	stream.indirect_vreg.gather [hbm4b:s3+s2], $0x80, v4, vm0, $0xb8;
	[tilespmem:$0x14200] =	vst v63  }
0xa6: {  	_ = 	snop  }
0xa7: {  	[tilespmem:s21], [sflag:$0x1] =	stream.indirect_vreg.gather [hbm4b:s4+s2], $0x80, v4, vm0, $0xb8;
	[tilespmem:$0x14200] =	vst v63  }
0xa8: {  	_ = 	snop  }
0xa9: {  	[tilespmem:s22], [sflag:$0x1] =	stream.indirect_vreg.gather [hbm4b:s3+s2], $0x80, v3, vm0, $0xb8;
	[tilespmem:$0x14200] =	vst v63  }
0xaa: {  	_ = 	snop  }
0xab: {  	[tilespmem:s23], [sflag:$0x1] =	stream.indirect_vreg.gather [hbm4b:s4+s2], $0x80, v3, vm0, $0xb8;
	[tilespmem:$0x14200] =	vst v63  }
0xac: {  	v3 =	vld [tilespmem:$0x190];
	_ =	sdelay $0x4  }
0xad: {  	v62 =	vshll.u32 v3, $0x2  }
0xae: {  	v3 =	vand.u32 $0x7, v3;
	v4 =	vand.u32 $0xFFFFFFE0, v62  }
0xaf: {  	v3 =	vor.u32 v3, v4  }
0xb0: {  	v4 =	vperm.xlane v3, v0;
	_ =	sdelay $0x1  }
0xb1: {  	v4 =	vadd.s32 v1, v4;
	_ =	sdelay $0x1  }
0xb2: {  	v3 =	vperm.xlane v3, v2;
	_ =	sdelay $0x1  }
0xb3: {  	v3 =	vadd.s32 v1, v3  }
0xb4: {  	[tilespmem:s24], [sflag:$0x1] =	stream.indirect_vreg.gather [hbm4b:s3+s2], $0x80, v4, vm0, $0xb8;
	[tilespmem:$0x14200] =	vst v63  }
0xb5: {  	_ = 	snop  }
0xb6: {  	[tilespmem:s25], [sflag:$0x1] =	stream.indirect_vreg.gather [hbm4b:s4+s2], $0x80, v4, vm0, $0xb8;
	[tilespmem:$0x14200] =	vst v63  }
0xb7: {  	_ = 	snop  }
0xb8: {  	[tilespmem:s26], [sflag:$0x1] =	stream.indirect_vreg.gather [hbm4b:s3+s2], $0x80, v3, vm0, $0xb8;
	[tilespmem:$0x14200] =	vst v63  }
0xb9: {  	_ = 	snop  }
0xba: {  	[tilespmem:s28], [sflag:$0x1] =	stream.indirect_vreg.gather [hbm4b:s4+s2], $0x80, v3, vm0, $0xb8;
	[tilespmem:$0x14200] =	vst v63  }
0xbb: {  	v3 =	vld.msk [tilespmem:$0x1A0], $0xff;
	_ =	sdelay $0x4  }
0xbc: {  	v63 =	vshll.u32 v3, $0x2  }
0xbd: {  	v3 =	vand.u32 $0x7, v3;
	v4 =	vand.u32 $0xFFFFFFE0, v63  }
0xbe: {  	v3 =	vor.u32 v3, v4  }
0xbf: {  	v3 =	vperm.xlane v3, v0;
	_ =	sdelay $0x1  }
0xc0: {  	v3 =	vadd.s32 v1, v3;
	_ =	sdelay $0x4  }
0xc1: {  	[tilespmem:s29], [sflag:$0x1] =	stream.indirect_vreg.gather [hbm4b:s3+s2], $0x80, v3, vm0, $0xb8;
	[tilespmem:$0x14200] =	vst v63  }
0xc2: {  	_ = 	snop  }
0xc3: {  	[tilespmem:s30], [sflag:$0x1] =	stream.indirect_vreg.gather [hbm4b:s4+s2], $0x80, v3, vm0, $0xb8;
	[tilespmem:$0x14200] =	vst v63  }
0xc4: {  	_ =	swait.ge [sflag:s31], $0x5000  }
0xc5: {  	[sflag:s31] =	ssyncset.done $0x0  }
0xc6: {  	s9 =	rddreg [dreg:$0x4];
	[sflag:s31] =	ssyncadd.s32 $0xFFFFB000  }
0xc7: {  	[hbm4b:s9+s2] =	stream.linear.scatter [tilespmem:s7], [sflag:$0x2], $0x5000, $0x38;
	[tilespmem:$0x14200] =	vst v63  }
0xc8: {  	_ =	swait.ge [sflag:s31], $0x5000  }
0xc9: {  	[sflag:s31] =	ssyncset.done $0x0  }
0xca: {  	s9 =	rddreg [dreg:$0x5];
	[sflag:s31] =	ssyncadd.s32 $0xFFFFB000  }
0xcb: {  	[hbm4b:s9+s2] =	stream.linear.scatter [tilespmem:s8], [sflag:$0x2], $0x5000, $0x38;
	[tilespmem:$0x14200] =	vst v63  }
0xcc: {  	_ =	swait.ge [sflag:s31], $0x5000  }
0xcd: {  	[sflag:s31] =	ssyncset.done $0x0  }
0xce: {  	s9 =	rddreg [dreg:$0x6];
	[sflag:s31] =	ssyncadd.s32 $0xFFFFB000  }
0xcf: {  	[hbm4b:s9+s2] =	stream.linear.scatter [tilespmem:s10], [sflag:$0x2], $0x5000, $0x38;
	[tilespmem:$0x14200] =	vst v63  }
0xd0: {  	_ =	swait.ge [sflag:s31], $0x5000  }
0xd1: {  	[sflag:s31] =	ssyncset.done $0x0  }
0xd2: {  	s9 =	rddreg [dreg:$0x7];
	[sflag:s31] =	ssyncadd.s32 $0xFFFFB000  }
0xd3: {  	[hbm4b:s9+s2] =	stream.linear.scatter [tilespmem:s20], [sflag:$0x2], $0x5000, $0x38;
	[tilespmem:$0x14200] =	vst v63  }
0xd4: {  	_ =	swait.ge [sflag:s0], $0x5000  }
0xd5: {  	[sflag:s0] =	ssyncset.done $0x0  }
0xd6: {  	[sflag:s0] =	ssyncadd.s32 $0xFFFFB000  }
0xd7: {  	_ =	swait.ge [sflag:s0], $0x5000  }
0xd8: {  	[sflag:s0] =	ssyncset.done $0x0  }
0xd9: {  	[sflag:s0] =	ssyncadd.s32 $0xFFFFB000  }
0xda: {  	p0 =	sne.s32 s5, $0x1;
	_ =	swait.ge [sflag:s0], $0x5000  }
.Ltmp0:
0xdb: {  	[sflag:s0] =	ssyncset.done $0x0;
	(pc) =	sbr.rel @p0 .LBB2_1-.Ltmp0, $4  }
0xdc: {  	[sflag:s0] =	ssyncadd.s32 $0xFFFFB000  }
0xdd: {  	_ =	swait.ge [sflag:s0], $0x5000  }
0xde: {  	[sflag:s0] =	ssyncset.done $0x0  }
0xdf: {  	s5 =	sadd.s32 $0xFFFFFFFF, s5;
	[sflag:s0] =	ssyncadd.s32 $0xFFFFB000  }
0xe0: {  	_ =	sfence.sel $0x180000  }
0xe1: {  	[bflag:$0x0] =	sbarrier.arrive $0xFFFF  }
0xe2: {  	_ =	strace $0x90000047  }
0xe3: {  	s0 =	stileid.u32;
	[bflag:$0x2] =	sbarrier.arrive $0xFFFF  }
0xe4: {  	p0 =	sne.s32 s0, $0x0;
	s0 =	rddreg [dreg:$0x2]  }
0xe5: {  	s0 =	sadd.s32 @!p0 $0x100000, s0  }
0xe6: {  	[sflag:s0] =	ssyncadd.tile.s32 @!p0 $0x1;
	_ =	shalt  }
.Lfunc_end2:
_tile_overlayer_lowered:
.L_overlay_start_2:
0xe7: {  	(tag) =	ssettag $0x2  }
0xe8: {  	s0 =	rddreg [dreg:$0x0];
	s2 =	stileid.u32  }
0xe9: {  	s1 =	rddreg [dreg:$0x1];
	p0 =	sne.s32 s2, $0x0  }
0xea: {  	s3 =	rddreg [dreg:$0x2];
	[bflag:$0x3] =	sbarrier.arrive $0xFFFF;
	s2 =	simm.s32 @!p0 $0x1C03  }
0xeb: {  	[timem:s3], [sflag:s2] =	dma.local @!p0 [hbm:s0], s1  }
0xec: {  	s0 =	simm.s32 @!p0 $0x3  }
0xed: {  	_ =	swait.ge @!p0 [sflag:s0], s1  }
0xee: {  	s1 =	ssub.s32 @!p0 $0x0, s1;
	[sflag:s0] =	ssyncset.done @!p0 $0x0  }
0xef: {  	[sflag:s0] =	ssyncadd.s32 @!p0 s1  }
0xf0: {  	[bflag:$0x3] =	sbarrier.arrive $0xFFFF  }
0xf1: {  	_ =	shalt  }

</sc_bundles>
